<compile_context>
chip_gen: v7x
topology: tpu7x:2x2x1
jax: 0.10.2.dev20260603
libtpu: 0.0.44.dev20260713+nightly
codegen_flags: <defaults>
</compile_context>

<pallas_src>
import functools

import jax
import jax.numpy as jnp
from jax import lax
from jax.experimental import pallas as pl
from jax.experimental.pallas import tpu as pltpu
from jax.experimental.pallas import tpu_sc as plsc

NC = 2
NS = 16
LANES = 16


def kernel(x, emb, posenc):
    B, T = x.shape
    V, D = emb.shape
    total = B * T
    NW = NC * NS
    per_w = total // NW
    C = 4 * T
    G = 100
    KG = C // G
    NCH = per_w // C
    KV = D // LANES
    REP = C // T

    xf = x.astype(jnp.int32).reshape(total // G, G)

    mesh = plsc.VectorSubcoreMesh(core_axis_name="c", subcore_axis_name="s")

    @functools.partial(
        pl.kernel,
        mesh=mesh,
        out_type=jax.ShapeDtypeStruct((total, D), jnp.float32),
        compiler_params=pltpu.CompilerParams(use_tc_tiling_on_sc=False),
        scratch_types=[
            pltpu.VMEM((2, KG, G), jnp.int32),
            pltpu.VMEM((2, C, D), jnp.float32),
            pltpu.VMEM((T, D), jnp.float32),
            pltpu.SemaphoreType.DMA,
            pltpu.SemaphoreType.DMA,
            pltpu.SemaphoreType.DMA,
        ],
    )
    def run(x_hbm, emb_hbm, pos_hbm, out_hbm, idx_v, rows_v, pos_v,
            isem, gsem, wsem):
        wid = lax.axis_index("s") * NC + lax.axis_index("c")
        row0_w = wid * (per_w // G)
        base_w = wid * per_w
        pltpu.sync_copy(pos_hbm.at[pl.ds(0, T)], pos_v)

        def start_gathers(c, buf):
            for j in range(KG):
                pltpu.make_async_copy(
                    emb_hbm.at[idx_v.at[buf].at[j]],
                    rows_v.at[buf].at[pl.ds(j * G, G)],
                    gsem,
                ).start()

        def wait_gathers(buf):
            for j in range(KG):
                pltpu.make_async_copy(
                    emb_hbm.at[idx_v.at[buf].at[j]],
                    rows_v.at[buf].at[pl.ds(j * G, G)],
                    gsem,
                ).wait()

        def write_copy(c, buf):
            return pltpu.make_async_copy(
                rows_v.at[buf],
                out_hbm.at[pl.ds(base_w + c * C, C)],
                wsem,
            )

        pltpu.sync_copy(x_hbm.at[pl.ds(row0_w, KG)], idx_v.at[0])
        start_gathers(0, 0)

        def chunk_body(c, carry):
            b0 = lax.rem(c, 2)
            b1 = lax.rem(c + 1, 2)

            @pl.when(c + 1 < NCH)
            def _():
                pltpu.make_async_copy(
                    x_hbm.at[pl.ds(row0_w + (c + 1) * KG, KG)],
                    idx_v.at[b1],
                    isem,
                ).start()

            wait_gathers(b0)

            @pl.when(c + 1 < NCH)
            def _():
                pltpu.make_async_copy(
                    x_hbm.at[pl.ds(row0_w + (c + 1) * KG, KG)],
                    idx_v.at[b1],
                    isem,
                ).wait()

                @pl.when(c > 0)
                def _():
                    write_copy(c - 1, b1).wait()

                start_gathers(c + 1, b1)

            @plsc.parallel_loop(0, T, unroll=2)
            def t_body(t):
                pvec = [pos_v[t, pl.ds(k * LANES, LANES)] for k in range(KV)]
                for rep in range(REP):
                    r = rep * T + t
                    for k in range(KV):
                        sl = pl.ds(k * LANES, LANES)
                        rows_v[b0, r, sl] = rows_v[b0, r, sl] + pvec[k]

            write_copy(c, b0).start()
            return carry

        lax.fori_loop(0, NCH, chunk_body, 0)
        write_copy(NCH - 2, (NCH - 2) % 2).wait()
        write_copy(NCH - 1, (NCH - 1) % 2).wait()

    out = run(xf, emb, posenc)
    return out.reshape(B, T, D)

# --- scband reference (transcript-rebuilt; emitter-appended) ---
"""Pipeline reference for scband-pre-continuous-block-10213432230084 (READ-ONLY COPY).

The authoritative reference and input builder live on the scoring server;
editing this copy changes nothing except your own understanding.
"""

import jax, jax.numpy as jnp
import numpy as np

VOCAB = 1000000
D_MODEL = 64
BLOCK = 2048
B, T = 4096, 200

def setup_inputs(seed: int = 0) -> dict:
    key = jax.random.key(seed)
    k1, k2, k3 = jax.random.split(key, 3)
    x = jax.random.randint(k1, (B, T), 0, VOCAB, dtype=jnp.int64) if jax.config.jax_enable_x64 else jax.random.randint(k1, (B, T), 0, VOCAB, dtype=jnp.int32)
    emb = jax.random.normal(k2, (VOCAB, D_MODEL), dtype=jnp.float32) * 0.02
    posenc = jax.random.normal(k3, (BLOCK, D_MODEL), dtype=jnp.float32) * 0.02
    return {"x": x, "emb": emb, "posenc": posenc}

def reference(x, emb, posenc):
    Tloc = x.shape[1]
    positions = jnp.arange(Tloc)
    out = jnp.take(emb, x, axis=0) + jnp.take(posenc, positions, axis=0)[None, :, :]
    return out

if __name__ == "__main__":
    import jax
    _d = setup_inputs()
    print(jax.jit(kernel)(*tuple(_d.values())))

</pallas_src>

<mosaic_0001>
#map = affine_map<(d0, d1) -> (0, 0)>
module attributes {stable_mosaic.version = 14 : i64} {
  func.func @run(%arg0: i32, %arg1: i32, %arg2: memref<8192x100xi32, #tpu.memory_space<hbm>>, %arg3: memref<1000000x64xf32, #tpu.memory_space<hbm>>, %arg4: memref<2048x64xf32, #tpu.memory_space<hbm>>, %arg5: memref<819200x64xf32, #tpu.memory_space<hbm>>, %arg6: memref<2x8x100xi32, #tpu.memory_space<vmem>>, %arg7: memref<2x800x64xf32, #tpu.memory_space<vmem>>, %arg8: memref<200x64xf32, #tpu.memory_space<vmem>>, %arg9: memref<!tpu.dma_semaphore, #tpu.memory_space<semaphore_mem>>, %arg10: memref<!tpu.dma_semaphore, #tpu.memory_space<semaphore_mem>>, %arg11: memref<!tpu.dma_semaphore, #tpu.memory_space<semaphore_mem>>) attributes {dimension_semantics = [#tpu.dimension_semantics<core_parallel>, #tpu.dimension_semantics<subcore_parallel>], iteration_bounds = array<i64: 2, 16>, scalar_prefetch = 0 : i64, scratch_operands = 6 : i64, tpu.core_type = #tpu.core_type<sc_vector_subcore>, window_params = [{transform_indices = #map}, {transform_indices = #map}, {transform_indices = #map}, {transform_indices = #map}]} {
    %mul3A = arith.constant 2 : i32
    %mul3A_0 = arith.muli %arg1, %mul3A : i32
    %add3A = arith.addi %mul3A_0, %arg0 : i32
    %mul3A_1 = arith.constant 256 : i32
    %mul3A_2 = arith.muli %add3A, %mul3A_1 : i32
    %mul3A_3 = arith.constant 25600 : i32
    %mul3A_4 = arith.muli %add3A, %mul3A_3 : i32
    "tpu.region"() ({
      %run_scoped3A_198 = tpu.sem_alloc : memref<!tpu.dma_semaphore, #tpu.memory_space<semaphore_mem>>
      %dma_start3A_199 = arith.constant 0 : i32
      %dma_start3A_200 = arith.constant 0 : i32
      %dma_start3A_201 = tpu.memref_slice %arg4[%dma_start3A_199, %dma_start3A_200] : memref<2048x64xf32, #tpu.memory_space<hbm>> -> memref<200x64xf32, #tpu.memory_space<hbm>>
      %dma_start3A_202 = arith.constant 0 : i32
      %dma_start3A_203 = arith.constant 0 : i32
      %dma_start3A_204 = tpu.memref_slice %arg4[%dma_start3A_202, %dma_start3A_203] : memref<2048x64xf32, #tpu.memory_space<hbm>> -> memref<200x64xf32, #tpu.memory_space<hbm>>
      tpu.enqueue_dma source(%dma_start3A_204 : memref<200x64xf32, #tpu.memory_space<hbm>>) target(%arg8 : memref<200x64xf32, #tpu.memory_space<vmem>>) target_semaphore(%run_scoped3A_198 : memref<!tpu.dma_semaphore, #tpu.memory_space<semaphore_mem>>)
      %dma_wait3A_205 = arith.constant 0 : i32
      %dma_wait3A_206 = arith.constant 0 : i32
      %dma_wait3A_207 = tpu.memref_slice %arg4[%dma_wait3A_205, %dma_wait3A_206] : memref<2048x64xf32, #tpu.memory_space<hbm>> -> memref<200x64xf32, #tpu.memory_space<hbm>>
      %dma_wait3A_208 = arith.constant 0 : i32
      %dma_wait3A_209 = arith.constant 0 : i32
      %dma_wait3A_210 = tpu.memref_slice %arg4[%dma_wait3A_208, %dma_wait3A_209] : memref<2048x64xf32, #tpu.memory_space<hbm>> -> memref<200x64xf32, #tpu.memory_space<hbm>>
      tpu.wait_dma2 semaphore(%run_scoped3A_198 : memref<!tpu.dma_semaphore, #tpu.memory_space<semaphore_mem>>) src(%dma_wait3A_210 : memref<200x64xf32, #tpu.memory_space<hbm>>) dst(%arg8 : memref<200x64xf32, #tpu.memory_space<vmem>>)
      tpu.yield
    }) : () -> ()
    %run_scoped3A = arith.constant 0 : i32
    "tpu.region"() ({
      %run_scoped3A_198 = tpu.sem_alloc : memref<!tpu.dma_semaphore, #tpu.memory_space<semaphore_mem>>
      %dma_start3A_199 = arith.constant 0 : i32
      %dma_start3A_200 = arith.constant 0 : i32
      %dma_start3A_201 = tpu.memref_slice %arg6[%run_scoped3A, %dma_start3A_199, %dma_start3A_200] : memref<2x8x100xi32, #tpu.memory_space<vmem>> -> memref<1x8x100xi32, #tpu.memory_space<vmem>>
      %dma_start3A_202 = tpu.memref_squeeze %dma_start3A_201 : memref<1x8x100xi32, #tpu.memory_space<vmem>> -> memref<8x100xi32, #tpu.memory_space<vmem>>
      %dma_start3A_203 = arith.constant 0 : i32
      %dma_start3A_204 = tpu.memref_slice %arg2[%mul3A_2, %dma_start3A_203] : memref<8192x100xi32, #tpu.memory_space<hbm>> -> memref<8x100xi32, #tpu.memory_space<hbm>>
      %dma_start3A_205 = arith.constant 0 : i32
      %dma_start3A_206 = arith.constant 0 : i32
      %dma_start3A_207 = tpu.memref_slice %arg6[%run_scoped3A, %dma_start3A_205, %dma_start3A_206] : memref<2x8x100xi32, #tpu.memory_space<vmem>> -> memref<1x8x100xi32, #tpu.memory_space<vmem>>
      %dma_start3A_208 = tpu.memref_squeeze %dma_start3A_207 : memref<1x8x100xi32, #tpu.memory_space<vmem>> -> memref<8x100xi32, #tpu.memory_space<vmem>>
      %dma_start3A_209 = arith.constant 0 : i32
      %dma_start3A_210 = tpu.memref_slice %arg2[%mul3A_2, %dma_start3A_209] : memref<8192x100xi32, #tpu.memory_space<hbm>> -> memref<8x100xi32, #tpu.memory_space<hbm>>
      tpu.enqueue_dma source(%dma_start3A_210 : memref<8x100xi32, #tpu.memory_space<hbm>>) target(%dma_start3A_208 : memref<8x100xi32, #tpu.memory_space<vmem>>) target_semaphore(%run_scoped3A_198 : memref<!tpu.dma_semaphore, #tpu.memory_space<semaphore_mem>>)
      %dma_wait3A_211 = arith.constant 0 : i32
      %dma_wait3A_212 = arith.constant 0 : i32
      %dma_wait3A_213 = tpu.memref_slice %arg6[%run_scoped3A, %dma_wait3A_211, %dma_wait3A_212] : memref<2x8x100xi32, #tpu.memory_space<vmem>> -> memref<1x8x100xi32, #tpu.memory_space<vmem>>
      %dma_wait3A_214 = tpu.memref_squeeze %dma_wait3A_213 : memref<1x8x100xi32, #tpu.memory_space<vmem>> -> memref<8x100xi32, #tpu.memory_space<vmem>>
      %dma_wait3A_215 = arith.constant 0 : i32
      %dma_wait3A_216 = tpu.memref_slice %arg2[%mul3A_2, %dma_wait3A_215] : memref<8192x100xi32, #tpu.memory_space<hbm>> -> memref<8x100xi32, #tpu.memory_space<hbm>>
      %dma_wait3A_217 = arith.constant 0 : i32
      %dma_wait3A_218 = arith.constant 0 : i32
      %dma_wait3A_219 = tpu.memref_slice %arg6[%run_scoped3A, %dma_wait3A_217, %dma_wait3A_218] : memref<2x8x100xi32, #tpu.memory_space<vmem>> -> memref<1x8x100xi32, #tpu.memory_space<vmem>>
      %dma_wait3A_220 = tpu.memref_squeeze %dma_wait3A_219 : memref<1x8x100xi32, #tpu.memory_space<vmem>> -> memref<8x100xi32, #tpu.memory_space<vmem>>
      %dma_wait3A_221 = arith.constant 0 : i32
      %dma_wait3A_222 = tpu.memref_slice %arg2[%mul3A_2, %dma_wait3A_221] : memref<8192x100xi32, #tpu.memory_space<hbm>> -> memref<8x100xi32, #tpu.memory_space<hbm>>
      tpu.wait_dma2 semaphore(%run_scoped3A_198 : memref<!tpu.dma_semaphore, #tpu.memory_space<semaphore_mem>>) src(%dma_wait3A_222 : memref<8x100xi32, #tpu.memory_space<hbm>>) dst(%dma_wait3A_220 : memref<8x100xi32, #tpu.memory_space<vmem>>)
      tpu.yield
    }) : () -> ()
    %dma_start3A = arith.constant 0 : i32
    %dma_start3A_5 = arith.constant 0 : i32
    %dma_start3A_6 = arith.constant 0 : i32
    %dma_start3A_7 = arith.constant 0 : i32
    %dma_start3A_8 = arith.constant 0 : i32
    %dma_start3A_9 = tpu.memref_slice %arg7[%dma_start3A_6, %dma_start3A_7, %dma_start3A_8] : memref<2x800x64xf32, #tpu.memory_space<vmem>> -> memref<1x800x64xf32, #tpu.memory_space<vmem>>
    %dma_start3A_10 = tpu.memref_squeeze %dma_start3A_9 : memref<1x800x64xf32, #tpu.memory_space<vmem>> -> memref<800x64xf32, #tpu.memory_space<vmem>>
    %dma_start3A_11 = arith.constant 0 : i32
    %dma_start3A_12 = arith.constant 0 : i32
    %dma_start3A_13 = tpu.memref_slice %dma_start3A_10[%dma_start3A_11, %dma_start3A_12] : memref<800x64xf32, #tpu.memory_space<vmem>> -> memref<100x64xf32, #tpu.memory_space<vmem>>
    %dma_start3A_14 = arith.constant 0 : i32
    %dma_start3A_15 = arith.constant 0 : i32
    %dma_start3A_16 = tpu.memref_slice %arg6[%dma_start3A, %dma_start3A_14, %dma_start3A_15] : memref<2x8x100xi32, #tpu.memory_space<vmem>> -> memref<1x8x100xi32, #tpu.memory_space<vmem>>
    %dma_start3A_17 = tpu.memref_squeeze %dma_start3A_16 : memref<1x8x100xi32, #tpu.memory_space<vmem>> -> memref<8x100xi32, #tpu.memory_space<vmem>>
    %dma_start3A_18 = arith.constant 0 : i32
    %dma_start3A_19 = tpu.memref_slice %dma_start3A_17[%dma_start3A_5, %dma_start3A_18] : memref<8x100xi32, #tpu.memory_space<vmem>> -> memref<1x100xi32, #tpu.memory_space<vmem>>
    %dma_start3A_20 = tpu.memref_squeeze %dma_start3A_19 : memref<1x100xi32, #tpu.memory_space<vmem>> -> memref<100xi32, #tpu.memory_space<vmem>>
    %dma_start3A_21 = arith.constant 0 : i32
    %dma_start3A_22 = arith.constant 0 : i32
    %dma_start3A_23 = tpu.memref_slice %arg3[%dma_start3A_21, %dma_start3A_22] : memref<1000000x64xf32, #tpu.memory_space<hbm>> -> memref<1000000x64xf32, #tpu.memory_space<hbm>>
    tpu.enqueue_indirect_dma source(%dma_start3A_23 : memref<1000000x64xf32, #tpu.memory_space<hbm>>) target(%dma_start3A_13 : memref<100x64xf32, #tpu.memory_space<vmem>>) offsets(%dma_start3A_20 : memref<100xi32, #tpu.memory_space<vmem>>) semaphore(%arg10 : memref<!tpu.dma_semaphore, #tpu.memory_space<semaphore_mem>>)
    %dma_start3A_24 = arith.constant 0 : i32
    %dma_start3A_25 = arith.constant 1 : i32
    %dma_start3A_26 = arith.constant 0 : i32
    %dma_start3A_27 = arith.constant 0 : i32
    %dma_start3A_28 = arith.constant 0 : i32
    %dma_start3A_29 = tpu.memref_slice %arg7[%dma_start3A_26, %dma_start3A_27, %dma_start3A_28] : memref<2x800x64xf32, #tpu.memory_space<vmem>> -> memref<1x800x64xf32, #tpu.memory_space<vmem>>
    %dma_start3A_30 = tpu.memref_squeeze %dma_start3A_29 : memref<1x800x64xf32, #tpu.memory_space<vmem>> -> memref<800x64xf32, #tpu.memory_space<vmem>>
    %dma_start3A_31 = arith.constant 100 : i32
    %dma_start3A_32 = arith.constant 0 : i32
    %dma_start3A_33 = tpu.memref_slice %dma_start3A_30[%dma_start3A_31, %dma_start3A_32] : memref<800x64xf32, #tpu.memory_space<vmem>> -> memref<100x64xf32, #tpu.memory_space<vmem>>
    %dma_start3A_34 = arith.constant 0 : i32
    %dma_start3A_35 = arith.constant 0 : i32
    %dma_start3A_36 = tpu.memref_slice %arg6[%dma_start3A_24, %dma_start3A_34, %dma_start3A_35] : memref<2x8x100xi32, #tpu.memory_space<vmem>> -> memref<1x8x100xi32, #tpu.memory_space<vmem>>
    %dma_start3A_37 = tpu.memref_squeeze %dma_start3A_36 : memref<1x8x100xi32, #tpu.memory_space<vmem>> -> memref<8x100xi32, #tpu.memory_space<vmem>>
    %dma_start3A_38 = arith.constant 0 : i32
    %dma_start3A_39 = tpu.memref_slice %dma_start3A_37[%dma_start3A_25, %dma_start3A_38] : memref<8x100xi32, #tpu.memory_space<vmem>> -> memref<1x100xi32, #tpu.memory_space<vmem>>
    %dma_start3A_40 = tpu.memref_squeeze %dma_start3A_39 : memref<1x100xi32, #tpu.memory_space<vmem>> -> memref<100xi32, #tpu.memory_space<vmem>>
    %dma_start3A_41 = arith.constant 0 : i32
    %dma_start3A_42 = arith.constant 0 : i32
    %dma_start3A_43 = tpu.memref_slice %arg3[%dma_start3A_41, %dma_start3A_42] : memref<1000000x64xf32, #tpu.memory_space<hbm>> -> memref<1000000x64xf32, #tpu.memory_space<hbm>>
    tpu.enqueue_indirect_dma source(%dma_start3A_43 : memref<1000000x64xf32, #tpu.memory_space<hbm>>) target(%dma_start3A_33 : memref<100x64xf32, #tpu.memory_space<vmem>>) offsets(%dma_start3A_40 : memref<100xi32, #tpu.memory_space<vmem>>) semaphore(%arg10 : memref<!tpu.dma_semaphore, #tpu.memory_space<semaphore_mem>>)
    %dma_start3A_44 = arith.constant 0 : i32
    %dma_start3A_45 = arith.constant 2 : i32
    %dma_start3A_46 = arith.constant 0 : i32
    %dma_start3A_47 = arith.constant 0 : i32
    %dma_start3A_48 = arith.constant 0 : i32
    %dma_start3A_49 = tpu.memref_slice %arg7[%dma_start3A_46, %dma_start3A_47, %dma_start3A_48] : memref<2x800x64xf32, #tpu.memory_space<vmem>> -> memref<1x800x64xf32, #tpu.memory_space<vmem>>
    %dma_start3A_50 = tpu.memref_squeeze %dma_start3A_49 : memref<1x800x64xf32, #tpu.memory_space<vmem>> -> memref<800x64xf32, #tpu.memory_space<vmem>>
    %dma_start3A_51 = arith.constant 200 : i32
    %dma_start3A_52 = arith.constant 0 : i32
    %dma_start3A_53 = tpu.memref_slice %dma_start3A_50[%dma_start3A_51, %dma_start3A_52] : memref<800x64xf32, #tpu.memory_space<vmem>> -> memref<100x64xf32, #tpu.memory_space<vmem>>
    %dma_start3A_54 = arith.constant 0 : i32
    %dma_start3A_55 = arith.constant 0 : i32
    %dma_start3A_56 = tpu.memref_slice %arg6[%dma_start3A_44, %dma_start3A_54, %dma_start3A_55] : memref<2x8x100xi32, #tpu.memory_space<vmem>> -> memref<1x8x100xi32, #tpu.memory_space<vmem>>
    %dma_start3A_57 = tpu.memref_squeeze %dma_start3A_56 : memref<1x8x100xi32, #tpu.memory_space<vmem>> -> memref<8x100xi32, #tpu.memory_space<vmem>>
    %dma_start3A_58 = arith.constant 0 : i32
    %dma_start3A_59 = tpu.memref_slice %dma_start3A_57[%dma_start3A_45, %dma_start3A_58] : memref<8x100xi32, #tpu.memory_space<vmem>> -> memref<1x100xi32, #tpu.memory_space<vmem>>
    %dma_start3A_60 = tpu.memref_squeeze %dma_start3A_59 : memref<1x100xi32, #tpu.memory_space<vmem>> -> memref<100xi32, #tpu.memory_space<vmem>>
    %dma_start3A_61 = arith.constant 0 : i32
    %dma_start3A_62 = arith.constant 0 : i32
    %dma_start3A_63 = tpu.memref_slice %arg3[%dma_start3A_61, %dma_start3A_62] : memref<1000000x64xf32, #tpu.memory_space<hbm>> -> memref<1000000x64xf32, #tpu.memory_space<hbm>>
    tpu.enqueue_indirect_dma source(%dma_start3A_63 : memref<1000000x64xf32, #tpu.memory_space<hbm>>) target(%dma_start3A_53 : memref<100x64xf32, #tpu.memory_space<vmem>>) offsets(%dma_start3A_60 : memref<100xi32, #tpu.memory_space<vmem>>) semaphore(%arg10 : memref<!tpu.dma_semaphore, #tpu.memory_space<semaphore_mem>>)
    %dma_start3A_64 = arith.constant 0 : i32
    %dma_start3A_65 = arith.constant 3 : i32
    %dma_start3A_66 = arith.constant 0 : i32
    %dma_start3A_67 = arith.constant 0 : i32
    %dma_start3A_68 = arith.constant 0 : i32
    %dma_start3A_69 = tpu.memref_slice %arg7[%dma_start3A_66, %dma_start3A_67, %dma_start3A_68] : memref<2x800x64xf32, #tpu.memory_space<vmem>> -> memref<1x800x64xf32, #tpu.memory_space<vmem>>
    %dma_start3A_70 = tpu.memref_squeeze %dma_start3A_69 : memref<1x800x64xf32, #tpu.memory_space<vmem>> -> memref<800x64xf32, #tpu.memory_space<vmem>>
    %dma_start3A_71 = arith.constant 300 : i32
    %dma_start3A_72 = arith.constant 0 : i32
    %dma_start3A_73 = tpu.memref_slice %dma_start3A_70[%dma_start3A_71, %dma_start3A_72] : memref<800x64xf32, #tpu.memory_space<vmem>> -> memref<100x64xf32, #tpu.memory_space<vmem>>
    %dma_start3A_74 = arith.constant 0 : i32
    %dma_start3A_75 = arith.constant 0 : i32
    %dma_start3A_76 = tpu.memref_slice %arg6[%dma_start3A_64, %dma_start3A_74, %dma_start3A_75] : memref<2x8x100xi32, #tpu.memory_space<vmem>> -> memref<1x8x100xi32, #tpu.memory_space<vmem>>
    %dma_start3A_77 = tpu.memref_squeeze %dma_start3A_76 : memref<1x8x100xi32, #tpu.memory_space<vmem>> -> memref<8x100xi32, #tpu.memory_space<vmem>>
    %dma_start3A_78 = arith.constant 0 : i32
    %dma_start3A_79 = tpu.memref_slice %dma_start3A_77[%dma_start3A_65, %dma_start3A_78] : memref<8x100xi32, #tpu.memory_space<vmem>> -> memref<1x100xi32, #tpu.memory_space<vmem>>
    %dma_start3A_80 = tpu.memref_squeeze %dma_start3A_79 : memref<1x100xi32, #tpu.memory_space<vmem>> -> memref<100xi32, #tpu.memory_space<vmem>>
    %dma_start3A_81 = arith.constant 0 : i32
    %dma_start3A_82 = arith.constant 0 : i32
    %dma_start3A_83 = tpu.memref_slice %arg3[%dma_start3A_81, %dma_start3A_82] : memref<1000000x64xf32, #tpu.memory_space<hbm>> -> memref<1000000x64xf32, #tpu.memory_space<hbm>>
    tpu.enqueue_indirect_dma source(%dma_start3A_83 : memref<1000000x64xf32, #tpu.memory_space<hbm>>) target(%dma_start3A_73 : memref<100x64xf32, #tpu.memory_space<vmem>>) offsets(%dma_start3A_80 : memref<100xi32, #tpu.memory_space<vmem>>) semaphore(%arg10 : memref<!tpu.dma_semaphore, #tpu.memory_space<semaphore_mem>>)
    %dma_start3A_84 = arith.constant 0 : i32
    %dma_start3A_85 = arith.constant 4 : i32
    %dma_start3A_86 = arith.constant 0 : i32
    %dma_start3A_87 = arith.constant 0 : i32
    %dma_start3A_88 = arith.constant 0 : i32
    %dma_start3A_89 = tpu.memref_slice %arg7[%dma_start3A_86, %dma_start3A_87, %dma_start3A_88] : memref<2x800x64xf32, #tpu.memory_space<vmem>> -> memref<1x800x64xf32, #tpu.memory_space<vmem>>
    %dma_start3A_90 = tpu.memref_squeeze %dma_start3A_89 : memref<1x800x64xf32, #tpu.memory_space<vmem>> -> memref<800x64xf32, #tpu.memory_space<vmem>>
    %dma_start3A_91 = arith.constant 400 : i32
    %dma_start3A_92 = arith.constant 0 : i32
    %dma_start3A_93 = tpu.memref_slice %dma_start3A_90[%dma_start3A_91, %dma_start3A_92] : memref<800x64xf32, #tpu.memory_space<vmem>> -> memref<100x64xf32, #tpu.memory_space<vmem>>
    %dma_start3A_94 = arith.constant 0 : i32
    %dma_start3A_95 = arith.constant 0 : i32
    %dma_start3A_96 = tpu.memref_slice %arg6[%dma_start3A_84, %dma_start3A_94, %dma_start3A_95] : memref<2x8x100xi32, #tpu.memory_space<vmem>> -> memref<1x8x100xi32, #tpu.memory_space<vmem>>
    %dma_start3A_97 = tpu.memref_squeeze %dma_start3A_96 : memref<1x8x100xi32, #tpu.memory_space<vmem>> -> memref<8x100xi32, #tpu.memory_space<vmem>>
    %dma_start3A_98 = arith.constant 0 : i32
    %dma_start3A_99 = tpu.memref_slice %dma_start3A_97[%dma_start3A_85, %dma_start3A_98] : memref<8x100xi32, #tpu.memory_space<vmem>> -> memref<1x100xi32, #tpu.memory_space<vmem>>
    %dma_start3A_100 = tpu.memref_squeeze %dma_start3A_99 : memref<1x100xi32, #tpu.memory_space<vmem>> -> memref<100xi32, #tpu.memory_space<vmem>>
    %dma_start3A_101 = arith.constant 0 : i32
    %dma_start3A_102 = arith.constant 0 : i32
    %dma_start3A_103 = tpu.memref_slice %arg3[%dma_start3A_101, %dma_start3A_102] : memref<1000000x64xf32, #tpu.memory_space<hbm>> -> memref<1000000x64xf32, #tpu.memory_space<hbm>>
    tpu.enqueue_indirect_dma source(%dma_start3A_103 : memref<1000000x64xf32, #tpu.memory_space<hbm>>) target(%dma_start3A_93 : memref<100x64xf32, #tpu.memory_space<vmem>>) offsets(%dma_start3A_100 : memref<100xi32, #tpu.memory_space<vmem>>) semaphore(%arg10 : memref<!tpu.dma_semaphore, #tpu.memory_space<semaphore_mem>>)
    %dma_start3A_104 = arith.constant 0 : i32
    %dma_start3A_105 = arith.constant 5 : i32
    %dma_start3A_106 = arith.constant 0 : i32
    %dma_start3A_107 = arith.constant 0 : i32
    %dma_start3A_108 = arith.constant 0 : i32
    %dma_start3A_109 = tpu.memref_slice %arg7[%dma_start3A_106, %dma_start3A_107, %dma_start3A_108] : memref<2x800x64xf32, #tpu.memory_space<vmem>> -> memref<1x800x64xf32, #tpu.memory_space<vmem>>
    %dma_start3A_110 = tpu.memref_squeeze %dma_start3A_109 : memref<1x800x64xf32, #tpu.memory_space<vmem>> -> memref<800x64xf32, #tpu.memory_space<vmem>>
    %dma_start3A_111 = arith.constant 500 : i32
    %dma_start3A_112 = arith.constant 0 : i32
    %dma_start3A_113 = tpu.memref_slice %dma_start3A_110[%dma_start3A_111, %dma_start3A_112] : memref<800x64xf32, #tpu.memory_space<vmem>> -> memref<100x64xf32, #tpu.memory_space<vmem>>
    %dma_start3A_114 = arith.constant 0 : i32
    %dma_start3A_115 = arith.constant 0 : i32
    %dma_start3A_116 = tpu.memref_slice %arg6[%dma_start3A_104, %dma_start3A_114, %dma_start3A_115] : memref<2x8x100xi32, #tpu.memory_space<vmem>> -> memref<1x8x100xi32, #tpu.memory_space<vmem>>
    %dma_start3A_117 = tpu.memref_squeeze %dma_start3A_116 : memref<1x8x100xi32, #tpu.memory_space<vmem>> -> memref<8x100xi32, #tpu.memory_space<vmem>>
    %dma_start3A_118 = arith.constant 0 : i32
    %dma_start3A_119 = tpu.memref_slice %dma_start3A_117[%dma_start3A_105, %dma_start3A_118] : memref<8x100xi32, #tpu.memory_space<vmem>> -> memref<1x100xi32, #tpu.memory_space<vmem>>
    %dma_start3A_120 = tpu.memref_squeeze %dma_start3A_119 : memref<1x100xi32, #tpu.memory_space<vmem>> -> memref<100xi32, #tpu.memory_space<vmem>>
    %dma_start3A_121 = arith.constant 0 : i32
    %dma_start3A_122 = arith.constant 0 : i32
    %dma_start3A_123 = tpu.memref_slice %arg3[%dma_start3A_121, %dma_start3A_122] : memref<1000000x64xf32, #tpu.memory_space<hbm>> -> memref<1000000x64xf32, #tpu.memory_space<hbm>>
    tpu.enqueue_indirect_dma source(%dma_start3A_123 : memref<1000000x64xf32, #tpu.memory_space<hbm>>) target(%dma_start3A_113 : memref<100x64xf32, #tpu.memory_space<vmem>>) offsets(%dma_start3A_120 : memref<100xi32, #tpu.memory_space<vmem>>) semaphore(%arg10 : memref<!tpu.dma_semaphore, #tpu.memory_space<semaphore_mem>>)
    %dma_start3A_124 = arith.constant 0 : i32
    %dma_start3A_125 = arith.constant 6 : i32
    %dma_start3A_126 = arith.constant 0 : i32
    %dma_start3A_127 = arith.constant 0 : i32
    %dma_start3A_128 = arith.constant 0 : i32
    %dma_start3A_129 = tpu.memref_slice %arg7[%dma_start3A_126, %dma_start3A_127, %dma_start3A_128] : memref<2x800x64xf32, #tpu.memory_space<vmem>> -> memref<1x800x64xf32, #tpu.memory_space<vmem>>
    %dma_start3A_130 = tpu.memref_squeeze %dma_start3A_129 : memref<1x800x64xf32, #tpu.memory_space<vmem>> -> memref<800x64xf32, #tpu.memory_space<vmem>>
    %dma_start3A_131 = arith.constant 600 : i32
    %dma_start3A_132 = arith.constant 0 : i32
    %dma_start3A_133 = tpu.memref_slice %dma_start3A_130[%dma_start3A_131, %dma_start3A_132] : memref<800x64xf32, #tpu.memory_space<vmem>> -> memref<100x64xf32, #tpu.memory_space<vmem>>
    %dma_start3A_134 = arith.constant 0 : i32
    %dma_start3A_135 = arith.constant 0 : i32
    %dma_start3A_136 = tpu.memref_slice %arg6[%dma_start3A_124, %dma_start3A_134, %dma_start3A_135] : memref<2x8x100xi32, #tpu.memory_space<vmem>> -> memref<1x8x100xi32, #tpu.memory_space<vmem>>
    %dma_start3A_137 = tpu.memref_squeeze %dma_start3A_136 : memref<1x8x100xi32, #tpu.memory_space<vmem>> -> memref<8x100xi32, #tpu.memory_space<vmem>>
    %dma_start3A_138 = arith.constant 0 : i32
    %dma_start3A_139 = tpu.memref_slice %dma_start3A_137[%dma_start3A_125, %dma_start3A_138] : memref<8x100xi32, #tpu.memory_space<vmem>> -> memref<1x100xi32, #tpu.memory_space<vmem>>
    %dma_start3A_140 = tpu.memref_squeeze %dma_start3A_139 : memref<1x100xi32, #tpu.memory_space<vmem>> -> memref<100xi32, #tpu.memory_space<vmem>>
    %dma_start3A_141 = arith.constant 0 : i32
    %dma_start3A_142 = arith.constant 0 : i32
    %dma_start3A_143 = tpu.memref_slice %arg3[%dma_start3A_141, %dma_start3A_142] : memref<1000000x64xf32, #tpu.memory_space<hbm>> -> memref<1000000x64xf32, #tpu.memory_space<hbm>>
    tpu.enqueue_indirect_dma source(%dma_start3A_143 : memref<1000000x64xf32, #tpu.memory_space<hbm>>) target(%dma_start3A_133 : memref<100x64xf32, #tpu.memory_space<vmem>>) offsets(%dma_start3A_140 : memref<100xi32, #tpu.memory_space<vmem>>) semaphore(%arg10 : memref<!tpu.dma_semaphore, #tpu.memory_space<semaphore_mem>>)
    %dma_start3A_144 = arith.constant 0 : i32
    %dma_start3A_145 = arith.constant 7 : i32
    %dma_start3A_146 = arith.constant 0 : i32
    %dma_start3A_147 = arith.constant 0 : i32
    %dma_start3A_148 = arith.constant 0 : i32
    %dma_start3A_149 = tpu.memref_slice %arg7[%dma_start3A_146, %dma_start3A_147, %dma_start3A_148] : memref<2x800x64xf32, #tpu.memory_space<vmem>> -> memref<1x800x64xf32, #tpu.memory_space<vmem>>
    %dma_start3A_150 = tpu.memref_squeeze %dma_start3A_149 : memref<1x800x64xf32, #tpu.memory_space<vmem>> -> memref<800x64xf32, #tpu.memory_space<vmem>>
    %dma_start3A_151 = arith.constant 700 : i32
    %dma_start3A_152 = arith.constant 0 : i32
    %dma_start3A_153 = tpu.memref_slice %dma_start3A_150[%dma_start3A_151, %dma_start3A_152] : memref<800x64xf32, #tpu.memory_space<vmem>> -> memref<100x64xf32, #tpu.memory_space<vmem>>
    %dma_start3A_154 = arith.constant 0 : i32
    %dma_start3A_155 = arith.constant 0 : i32
    %dma_start3A_156 = tpu.memref_slice %arg6[%dma_start3A_144, %dma_start3A_154, %dma_start3A_155] : memref<2x8x100xi32, #tpu.memory_space<vmem>> -> memref<1x8x100xi32, #tpu.memory_space<vmem>>
    %dma_start3A_157 = tpu.memref_squeeze %dma_start3A_156 : memref<1x8x100xi32, #tpu.memory_space<vmem>> -> memref<8x100xi32, #tpu.memory_space<vmem>>
    %dma_start3A_158 = arith.constant 0 : i32
    %dma_start3A_159 = tpu.memref_slice %dma_start3A_157[%dma_start3A_145, %dma_start3A_158] : memref<8x100xi32, #tpu.memory_space<vmem>> -> memref<1x100xi32, #tpu.memory_space<vmem>>
    %dma_start3A_160 = tpu.memref_squeeze %dma_start3A_159 : memref<1x100xi32, #tpu.memory_space<vmem>> -> memref<100xi32, #tpu.memory_space<vmem>>
    %dma_start3A_161 = arith.constant 0 : i32
    %dma_start3A_162 = arith.constant 0 : i32
    %dma_start3A_163 = tpu.memref_slice %arg3[%dma_start3A_161, %dma_start3A_162] : memref<1000000x64xf32, #tpu.memory_space<hbm>> -> memref<1000000x64xf32, #tpu.memory_space<hbm>>
    tpu.enqueue_indirect_dma source(%dma_start3A_163 : memref<1000000x64xf32, #tpu.memory_space<hbm>>) target(%dma_start3A_153 : memref<100x64xf32, #tpu.memory_space<vmem>>) offsets(%dma_start3A_160 : memref<100xi32, #tpu.memory_space<vmem>>) semaphore(%arg10 : memref<!tpu.dma_semaphore, #tpu.memory_space<semaphore_mem>>)
    %scan3A = arith.constant 0 : i32
    %scan3A_164 = arith.constant 0 : i32
    %scan3A_165 = arith.constant 32 : i32
    %scan3A_166 = arith.addi %scan3A_164, %scan3A_165 : i32
    %scan3A_167 = arith.constant 1 : i32
    scf.for %scan3A_198 = %scan3A_164 to %scan3A_166 step %scan3A_167  : i32 {
      %rem3A = arith.constant 2 : i32
      %rem3A_199 = arith.remsi %scan3A_198, %rem3A : i32
      %add3A_200 = arith.constant 1 : i32
      %add3A_201 = arith.addi %scan3A_198, %add3A_200 : i32
      %rem3A_202 = arith.constant 2 : i32
      %rem3A_203 = arith.remsi %add3A_201, %rem3A_202 : i32
      %add3A_204 = arith.constant 1 : i32
      %add3A_205 = arith.addi %scan3A_198, %add3A_204 : i32
      %lt3A = arith.constant 32 : i32
      %lt3A_206 = arith.cmpi slt, %add3A_205, %lt3A : i32
      %convert_element_type3A = arith.extui %lt3A_206 : i1 to i32
      %cond3A = arith.constant 0 : i32
      %cond3A_207 = arith.cmpi ne, %convert_element_type3A, %cond3A : i32
      scf.if %cond3A_207 {
        %add3A_376 = arith.constant 1 : i32
        %add3A_377 = arith.addi %scan3A_198, %add3A_376 : i32
        %mul3A_378 = arith.constant 8 : i32
        %mul3A_379 = arith.muli %add3A_377, %mul3A_378 : i32
        %add3A_380 = arith.addi %mul3A_2, %mul3A_379 : i32
        %dma_start3A_381 = arith.constant 0 : i32
        %dma_start3A_382 = arith.constant 0 : i32
        %dma_start3A_383 = tpu.memref_slice %arg6[%rem3A_203, %dma_start3A_381, %dma_start3A_382] : memref<2x8x100xi32, #tpu.memory_space<vmem>> -> memref<1x8x100xi32, #tpu.memory_space<vmem>>
        %dma_start3A_384 = tpu.memref_squeeze %dma_start3A_383 : memref<1x8x100xi32, #tpu.memory_space<vmem>> -> memref<8x100xi32, #tpu.memory_space<vmem>>
        %dma_start3A_385 = arith.constant 0 : i32
        %dma_start3A_386 = tpu.memref_slice %arg2[%add3A_380, %dma_start3A_385] : memref<8192x100xi32, #tpu.memory_space<hbm>> -> memref<8x100xi32, #tpu.memory_space<hbm>>
        %dma_start3A_387 = arith.constant 0 : i32
        %dma_start3A_388 = arith.constant 0 : i32
        %dma_start3A_389 = tpu.memref_slice %arg6[%rem3A_203, %dma_start3A_387, %dma_start3A_388] : memref<2x8x100xi32, #tpu.memory_space<vmem>> -> memref<1x8x100xi32, #tpu.memory_space<vmem>>
        %dma_start3A_390 = tpu.memref_squeeze %dma_start3A_389 : memref<1x8x100xi32, #tpu.memory_space<vmem>> -> memref<8x100xi32, #tpu.memory_space<vmem>>
        %dma_start3A_391 = arith.constant 0 : i32
        %dma_start3A_392 = tpu.memref_slice %arg2[%add3A_380, %dma_start3A_391] : memref<8192x100xi32, #tpu.memory_space<hbm>> -> memref<8x100xi32, #tpu.memory_space<hbm>>
        tpu.enqueue_dma source(%dma_start3A_392 : memref<8x100xi32, #tpu.memory_space<hbm>>) target(%dma_start3A_390 : memref<8x100xi32, #tpu.memory_space<vmem>>) target_semaphore(%arg9 : memref<!tpu.dma_semaphore, #tpu.memory_space<semaphore_mem>>)
      } else {
      }
      %dma_wait3A_208 = arith.constant 0 : i32
      %dma_wait3A_209 = arith.constant 0 : i32
      %dma_wait3A_210 = arith.constant 0 : i32
      %dma_wait3A_211 = tpu.memref_slice %arg7[%rem3A_199, %dma_wait3A_209, %dma_wait3A_210] : memref<2x800x64xf32, #tpu.memory_space<vmem>> -> memref<1x800x64xf32, #tpu.memory_space<vmem>>
      %dma_wait3A_212 = tpu.memref_squeeze %dma_wait3A_211 : memref<1x800x64xf32, #tpu.memory_space<vmem>> -> memref<800x64xf32, #tpu.memory_space<vmem>>
      %dma_wait3A_213 = arith.constant 0 : i32
      %dma_wait3A_214 = arith.constant 0 : i32
      %dma_wait3A_215 = tpu.memref_slice %dma_wait3A_212[%dma_wait3A_213, %dma_wait3A_214] : memref<800x64xf32, #tpu.memory_space<vmem>> -> memref<100x64xf32, #tpu.memory_space<vmem>>
      %dma_wait3A_216 = arith.constant 0 : i32
      %dma_wait3A_217 = arith.constant 0 : i32
      %dma_wait3A_218 = tpu.memref_slice %arg6[%rem3A_199, %dma_wait3A_216, %dma_wait3A_217] : memref<2x8x100xi32, #tpu.memory_space<vmem>> -> memref<1x8x100xi32, #tpu.memory_space<vmem>>
      %dma_wait3A_219 = tpu.memref_squeeze %dma_wait3A_218 : memref<1x8x100xi32, #tpu.memory_space<vmem>> -> memref<8x100xi32, #tpu.memory_space<vmem>>
      %dma_wait3A_220 = arith.constant 0 : i32
      %dma_wait3A_221 = tpu.memref_slice %dma_wait3A_219[%dma_wait3A_208, %dma_wait3A_220] : memref<8x100xi32, #tpu.memory_space<vmem>> -> memref<1x100xi32, #tpu.memory_space<vmem>>
      %dma_wait3A_222 = tpu.memref_squeeze %dma_wait3A_221 : memref<1x100xi32, #tpu.memory_space<vmem>> -> memref<100xi32, #tpu.memory_space<vmem>>
      %dma_wait3A_223 = arith.constant 0 : i32
      %dma_wait3A_224 = arith.constant 0 : i32
      %dma_wait3A_225 = tpu.memref_slice %arg3[%dma_wait3A_223, %dma_wait3A_224] : memref<1000000x64xf32, #tpu.memory_space<hbm>> -> memref<1000000x64xf32, #tpu.memory_space<hbm>>
      tpu.wait_indirect_dma semaphore(%arg10 : memref<!tpu.dma_semaphore, #tpu.memory_space<semaphore_mem>>) src(%dma_wait3A_225 : memref<1000000x64xf32, #tpu.memory_space<hbm>>) dst(%dma_wait3A_215 : memref<100x64xf32, #tpu.memory_space<vmem>>)
      %dma_wait3A_226 = arith.constant 1 : i32
      %dma_wait3A_227 = arith.constant 0 : i32
      %dma_wait3A_228 = arith.constant 0 : i32
      %dma_wait3A_229 = tpu.memref_slice %arg7[%rem3A_199, %dma_wait3A_227, %dma_wait3A_228] : memref<2x800x64xf32, #tpu.memory_space<vmem>> -> memref<1x800x64xf32, #tpu.memory_space<vmem>>
      %dma_wait3A_230 = tpu.memref_squeeze %dma_wait3A_229 : memref<1x800x64xf32, #tpu.memory_space<vmem>> -> memref<800x64xf32, #tpu.memory_space<vmem>>
      %dma_wait3A_231 = arith.constant 100 : i32
      %dma_wait3A_232 = arith.constant 0 : i32
      %dma_wait3A_233 = tpu.memref_slice %dma_wait3A_230[%dma_wait3A_231, %dma_wait3A_232] : memref<800x64xf32, #tpu.memory_space<vmem>> -> memref<100x64xf32, #tpu.memory_space<vmem>>
      %dma_wait3A_234 = arith.constant 0 : i32
      %dma_wait3A_235 = arith.constant 0 : i32
      %dma_wait3A_236 = tpu.memref_slice %arg6[%rem3A_199, %dma_wait3A_234, %dma_wait3A_235] : memref<2x8x100xi32, #tpu.memory_space<vmem>> -> memref<1x8x100xi32, #tpu.memory_space<vmem>>
      %dma_wait3A_237 = tpu.memref_squeeze %dma_wait3A_236 : memref<1x8x100xi32, #tpu.memory_space<vmem>> -> memref<8x100xi32, #tpu.memory_space<vmem>>
      %dma_wait3A_238 = arith.constant 0 : i32
      %dma_wait3A_239 = tpu.memref_slice %dma_wait3A_237[%dma_wait3A_226, %dma_wait3A_238] : memref<8x100xi32, #tpu.memory_space<vmem>> -> memref<1x100xi32, #tpu.memory_space<vmem>>
      %dma_wait3A_240 = tpu.memref_squeeze %dma_wait3A_239 : memref<1x100xi32, #tpu.memory_space<vmem>> -> memref<100xi32, #tpu.memory_space<vmem>>
      %dma_wait3A_241 = arith.constant 0 : i32
      %dma_wait3A_242 = arith.constant 0 : i32
      %dma_wait3A_243 = tpu.memref_slice %arg3[%dma_wait3A_241, %dma_wait3A_242] : memref<1000000x64xf32, #tpu.memory_space<hbm>> -> memref<1000000x64xf32, #tpu.memory_space<hbm>>
      tpu.wait_indirect_dma semaphore(%arg10 : memref<!tpu.dma_semaphore, #tpu.memory_space<semaphore_mem>>) src(%dma_wait3A_243 : memref<1000000x64xf32, #tpu.memory_space<hbm>>) dst(%dma_wait3A_233 : memref<100x64xf32, #tpu.memory_space<vmem>>)
      %dma_wait3A_244 = arith.constant 2 : i32
      %dma_wait3A_245 = arith.constant 0 : i32
      %dma_wait3A_246 = arith.constant 0 : i32
      %dma_wait3A_247 = tpu.memref_slice %arg7[%rem3A_199, %dma_wait3A_245, %dma_wait3A_246] : memref<2x800x64xf32, #tpu.memory_space<vmem>> -> memref<1x800x64xf32, #tpu.memory_space<vmem>>
      %dma_wait3A_248 = tpu.memref_squeeze %dma_wait3A_247 : memref<1x800x64xf32, #tpu.memory_space<vmem>> -> memref<800x64xf32, #tpu.memory_space<vmem>>
      %dma_wait3A_249 = arith.constant 200 : i32
      %dma_wait3A_250 = arith.constant 0 : i32
      %dma_wait3A_251 = tpu.memref_slice %dma_wait3A_248[%dma_wait3A_249, %dma_wait3A_250] : memref<800x64xf32, #tpu.memory_space<vmem>> -> memref<100x64xf32, #tpu.memory_space<vmem>>
      %dma_wait3A_252 = arith.constant 0 : i32
      %dma_wait3A_253 = arith.constant 0 : i32
      %dma_wait3A_254 = tpu.memref_slice %arg6[%rem3A_199, %dma_wait3A_252, %dma_wait3A_253] : memref<2x8x100xi32, #tpu.memory_space<vmem>> -> memref<1x8x100xi32, #tpu.memory_space<vmem>>
      %dma_wait3A_255 = tpu.memref_squeeze %dma_wait3A_254 : memref<1x8x100xi32, #tpu.memory_space<vmem>> -> memref<8x100xi32, #tpu.memory_space<vmem>>
      %dma_wait3A_256 = arith.constant 0 : i32
      %dma_wait3A_257 = tpu.memref_slice %dma_wait3A_255[%dma_wait3A_244, %dma_wait3A_256] : memref<8x100xi32, #tpu.memory_space<vmem>> -> memref<1x100xi32, #tpu.memory_space<vmem>>
      %dma_wait3A_258 = tpu.memref_squeeze %dma_wait3A_257 : memref<1x100xi32, #tpu.memory_space<vmem>> -> memref<100xi32, #tpu.memory_space<vmem>>
      %dma_wait3A_259 = arith.constant 0 : i32
      %dma_wait3A_260 = arith.constant 0 : i32
      %dma_wait3A_261 = tpu.memref_slice %arg3[%dma_wait3A_259, %dma_wait3A_260] : memref<1000000x64xf32, #tpu.memory_space<hbm>> -> memref<1000000x64xf32, #tpu.memory_space<hbm>>
      tpu.wait_indirect_dma semaphore(%arg10 : memref<!tpu.dma_semaphore, #tpu.memory_space<semaphore_mem>>) src(%dma_wait3A_261 : memref<1000000x64xf32, #tpu.memory_space<hbm>>) dst(%dma_wait3A_251 : memref<100x64xf32, #tpu.memory_space<vmem>>)
      %dma_wait3A_262 = arith.constant 3 : i32
      %dma_wait3A_263 = arith.constant 0 : i32
      %dma_wait3A_264 = arith.constant 0 : i32
      %dma_wait3A_265 = tpu.memref_slice %arg7[%rem3A_199, %dma_wait3A_263, %dma_wait3A_264] : memref<2x800x64xf32, #tpu.memory_space<vmem>> -> memref<1x800x64xf32, #tpu.memory_space<vmem>>
      %dma_wait3A_266 = tpu.memref_squeeze %dma_wait3A_265 : memref<1x800x64xf32, #tpu.memory_space<vmem>> -> memref<800x64xf32, #tpu.memory_space<vmem>>
      %dma_wait3A_267 = arith.constant 300 : i32
      %dma_wait3A_268 = arith.constant 0 : i32
      %dma_wait3A_269 = tpu.memref_slice %dma_wait3A_266[%dma_wait3A_267, %dma_wait3A_268] : memref<800x64xf32, #tpu.memory_space<vmem>> -> memref<100x64xf32, #tpu.memory_space<vmem>>
      %dma_wait3A_270 = arith.constant 0 : i32
      %dma_wait3A_271 = arith.constant 0 : i32
      %dma_wait3A_272 = tpu.memref_slice %arg6[%rem3A_199, %dma_wait3A_270, %dma_wait3A_271] : memref<2x8x100xi32, #tpu.memory_space<vmem>> -> memref<1x8x100xi32, #tpu.memory_space<vmem>>
      %dma_wait3A_273 = tpu.memref_squeeze %dma_wait3A_272 : memref<1x8x100xi32, #tpu.memory_space<vmem>> -> memref<8x100xi32, #tpu.memory_space<vmem>>
      %dma_wait3A_274 = arith.constant 0 : i32
      %dma_wait3A_275 = tpu.memref_slice %dma_wait3A_273[%dma_wait3A_262, %dma_wait3A_274] : memref<8x100xi32, #tpu.memory_space<vmem>> -> memref<1x100xi32, #tpu.memory_space<vmem>>
      %dma_wait3A_276 = tpu.memref_squeeze %dma_wait3A_275 : memref<1x100xi32, #tpu.memory_space<vmem>> -> memref<100xi32, #tpu.memory_space<vmem>>
      %dma_wait3A_277 = arith.constant 0 : i32
      %dma_wait3A_278 = arith.constant 0 : i32
      %dma_wait3A_279 = tpu.memref_slice %arg3[%dma_wait3A_277, %dma_wait3A_278] : memref<1000000x64xf32, #tpu.memory_space<hbm>> -> memref<1000000x64xf32, #tpu.memory_space<hbm>>
      tpu.wait_indirect_dma semaphore(%arg10 : memref<!tpu.dma_semaphore, #tpu.memory_space<semaphore_mem>>) src(%dma_wait3A_279 : memref<1000000x64xf32, #tpu.memory_space<hbm>>) dst(%dma_wait3A_269 : memref<100x64xf32, #tpu.memory_space<vmem>>)
      %dma_wait3A_280 = arith.constant 4 : i32
      %dma_wait3A_281 = arith.constant 0 : i32
      %dma_wait3A_282 = arith.constant 0 : i32
      %dma_wait3A_283 = tpu.memref_slice %arg7[%rem3A_199, %dma_wait3A_281, %dma_wait3A_282] : memref<2x800x64xf32, #tpu.memory_space<vmem>> -> memref<1x800x64xf32, #tpu.memory_space<vmem>>
      %dma_wait3A_284 = tpu.memref_squeeze %dma_wait3A_283 : memref<1x800x64xf32, #tpu.memory_space<vmem>> -> memref<800x64xf32, #tpu.memory_space<vmem>>
      %dma_wait3A_285 = arith.constant 400 : i32
      %dma_wait3A_286 = arith.constant 0 : i32
      %dma_wait3A_287 = tpu.memref_slice %dma_wait3A_284[%dma_wait3A_285, %dma_wait3A_286] : memref<800x64xf32, #tpu.memory_space<vmem>> -> memref<100x64xf32, #tpu.memory_space<vmem>>
      %dma_wait3A_288 = arith.constant 0 : i32
      %dma_wait3A_289 = arith.constant 0 : i32
      %dma_wait3A_290 = tpu.memref_slice %arg6[%rem3A_199, %dma_wait3A_288, %dma_wait3A_289] : memref<2x8x100xi32, #tpu.memory_space<vmem>> -> memref<1x8x100xi32, #tpu.memory_space<vmem>>
      %dma_wait3A_291 = tpu.memref_squeeze %dma_wait3A_290 : memref<1x8x100xi32, #tpu.memory_space<vmem>> -> memref<8x100xi32, #tpu.memory_space<vmem>>
      %dma_wait3A_292 = arith.constant 0 : i32
      %dma_wait3A_293 = tpu.memref_slice %dma_wait3A_291[%dma_wait3A_280, %dma_wait3A_292] : memref<8x100xi32, #tpu.memory_space<vmem>> -> memref<1x100xi32, #tpu.memory_space<vmem>>
      %dma_wait3A_294 = tpu.memref_squeeze %dma_wait3A_293 : memref<1x100xi32, #tpu.memory_space<vmem>> -> memref<100xi32, #tpu.memory_space<vmem>>
      %dma_wait3A_295 = arith.constant 0 : i32
      %dma_wait3A_296 = arith.constant 0 : i32
      %dma_wait3A_297 = tpu.memref_slice %arg3[%dma_wait3A_295, %dma_wait3A_296] : memref<1000000x64xf32, #tpu.memory_space<hbm>> -> memref<1000000x64xf32, #tpu.memory_space<hbm>>
      tpu.wait_indirect_dma semaphore(%arg10 : memref<!tpu.dma_semaphore, #tpu.memory_space<semaphore_mem>>) src(%dma_wait3A_297 : memref<1000000x64xf32, #tpu.memory_space<hbm>>) dst(%dma_wait3A_287 : memref<100x64xf32, #tpu.memory_space<vmem>>)
      %dma_wait3A_298 = arith.constant 5 : i32
      %dma_wait3A_299 = arith.constant 0 : i32
      %dma_wait3A_300 = arith.constant 0 : i32
      %dma_wait3A_301 = tpu.memref_slice %arg7[%rem3A_199, %dma_wait3A_299, %dma_wait3A_300] : memref<2x800x64xf32, #tpu.memory_space<vmem>> -> memref<1x800x64xf32, #tpu.memory_space<vmem>>
      %dma_wait3A_302 = tpu.memref_squeeze %dma_wait3A_301 : memref<1x800x64xf32, #tpu.memory_space<vmem>> -> memref<800x64xf32, #tpu.memory_space<vmem>>
      %dma_wait3A_303 = arith.constant 500 : i32
      %dma_wait3A_304 = arith.constant 0 : i32
      %dma_wait3A_305 = tpu.memref_slice %dma_wait3A_302[%dma_wait3A_303, %dma_wait3A_304] : memref<800x64xf32, #tpu.memory_space<vmem>> -> memref<100x64xf32, #tpu.memory_space<vmem>>
      %dma_wait3A_306 = arith.constant 0 : i32
      %dma_wait3A_307 = arith.constant 0 : i32
      %dma_wait3A_308 = tpu.memref_slice %arg6[%rem3A_199, %dma_wait3A_306, %dma_wait3A_307] : memref<2x8x100xi32, #tpu.memory_space<vmem>> -> memref<1x8x100xi32, #tpu.memory_space<vmem>>
      %dma_wait3A_309 = tpu.memref_squeeze %dma_wait3A_308 : memref<1x8x100xi32, #tpu.memory_space<vmem>> -> memref<8x100xi32, #tpu.memory_space<vmem>>
      %dma_wait3A_310 = arith.constant 0 : i32
      %dma_wait3A_311 = tpu.memref_slice %dma_wait3A_309[%dma_wait3A_298, %dma_wait3A_310] : memref<8x100xi32, #tpu.memory_space<vmem>> -> memref<1x100xi32, #tpu.memory_space<vmem>>
      %dma_wait3A_312 = tpu.memref_squeeze %dma_wait3A_311 : memref<1x100xi32, #tpu.memory_space<vmem>> -> memref<100xi32, #tpu.memory_space<vmem>>
      %dma_wait3A_313 = arith.constant 0 : i32
      %dma_wait3A_314 = arith.constant 0 : i32
      %dma_wait3A_315 = tpu.memref_slice %arg3[%dma_wait3A_313, %dma_wait3A_314] : memref<1000000x64xf32, #tpu.memory_space<hbm>> -> memref<1000000x64xf32, #tpu.memory_space<hbm>>
      tpu.wait_indirect_dma semaphore(%arg10 : memref<!tpu.dma_semaphore, #tpu.memory_space<semaphore_mem>>) src(%dma_wait3A_315 : memref<1000000x64xf32, #tpu.memory_space<hbm>>) dst(%dma_wait3A_305 : memref<100x64xf32, #tpu.memory_space<vmem>>)
      %dma_wait3A_316 = arith.constant 6 : i32
      %dma_wait3A_317 = arith.constant 0 : i32
      %dma_wait3A_318 = arith.constant 0 : i32
      %dma_wait3A_319 = tpu.memref_slice %arg7[%rem3A_199, %dma_wait3A_317, %dma_wait3A_318] : memref<2x800x64xf32, #tpu.memory_space<vmem>> -> memref<1x800x64xf32, #tpu.memory_space<vmem>>
      %dma_wait3A_320 = tpu.memref_squeeze %dma_wait3A_319 : memref<1x800x64xf32, #tpu.memory_space<vmem>> -> memref<800x64xf32, #tpu.memory_space<vmem>>
      %dma_wait3A_321 = arith.constant 600 : i32
      %dma_wait3A_322 = arith.constant 0 : i32
      %dma_wait3A_323 = tpu.memref_slice %dma_wait3A_320[%dma_wait3A_321, %dma_wait3A_322] : memref<800x64xf32, #tpu.memory_space<vmem>> -> memref<100x64xf32, #tpu.memory_space<vmem>>
      %dma_wait3A_324 = arith.constant 0 : i32
      %dma_wait3A_325 = arith.constant 0 : i32
      %dma_wait3A_326 = tpu.memref_slice %arg6[%rem3A_199, %dma_wait3A_324, %dma_wait3A_325] : memref<2x8x100xi32, #tpu.memory_space<vmem>> -> memref<1x8x100xi32, #tpu.memory_space<vmem>>
      %dma_wait3A_327 = tpu.memref_squeeze %dma_wait3A_326 : memref<1x8x100xi32, #tpu.memory_space<vmem>> -> memref<8x100xi32, #tpu.memory_space<vmem>>
      %dma_wait3A_328 = arith.constant 0 : i32
      %dma_wait3A_329 = tpu.memref_slice %dma_wait3A_327[%dma_wait3A_316, %dma_wait3A_328] : memref<8x100xi32, #tpu.memory_space<vmem>> -> memref<1x100xi32, #tpu.memory_space<vmem>>
      %dma_wait3A_330 = tpu.memref_squeeze %dma_wait3A_329 : memref<1x100xi32, #tpu.memory_space<vmem>> -> memref<100xi32, #tpu.memory_space<vmem>>
      %dma_wait3A_331 = arith.constant 0 : i32
      %dma_wait3A_332 = arith.constant 0 : i32
      %dma_wait3A_333 = tpu.memref_slice %arg3[%dma_wait3A_331, %dma_wait3A_332] : memref<1000000x64xf32, #tpu.memory_space<hbm>> -> memref<1000000x64xf32, #tpu.memory_space<hbm>>
      tpu.wait_indirect_dma semaphore(%arg10 : memref<!tpu.dma_semaphore, #tpu.memory_space<semaphore_mem>>) src(%dma_wait3A_333 : memref<1000000x64xf32, #tpu.memory_space<hbm>>) dst(%dma_wait3A_323 : memref<100x64xf32, #tpu.memory_space<vmem>>)
      %dma_wait3A_334 = arith.constant 7 : i32
      %dma_wait3A_335 = arith.constant 0 : i32
      %dma_wait3A_336 = arith.constant 0 : i32
      %dma_wait3A_337 = tpu.memref_slice %arg7[%rem3A_199, %dma_wait3A_335, %dma_wait3A_336] : memref<2x800x64xf32, #tpu.memory_space<vmem>> -> memref<1x800x64xf32, #tpu.memory_space<vmem>>
      %dma_wait3A_338 = tpu.memref_squeeze %dma_wait3A_337 : memref<1x800x64xf32, #tpu.memory_space<vmem>> -> memref<800x64xf32, #tpu.memory_space<vmem>>
      %dma_wait3A_339 = arith.constant 700 : i32
      %dma_wait3A_340 = arith.constant 0 : i32
      %dma_wait3A_341 = tpu.memref_slice %dma_wait3A_338[%dma_wait3A_339, %dma_wait3A_340] : memref<800x64xf32, #tpu.memory_space<vmem>> -> memref<100x64xf32, #tpu.memory_space<vmem>>
      %dma_wait3A_342 = arith.constant 0 : i32
      %dma_wait3A_343 = arith.constant 0 : i32
      %dma_wait3A_344 = tpu.memref_slice %arg6[%rem3A_199, %dma_wait3A_342, %dma_wait3A_343] : memref<2x8x100xi32, #tpu.memory_space<vmem>> -> memref<1x8x100xi32, #tpu.memory_space<vmem>>
      %dma_wait3A_345 = tpu.memref_squeeze %dma_wait3A_344 : memref<1x8x100xi32, #tpu.memory_space<vmem>> -> memref<8x100xi32, #tpu.memory_space<vmem>>
      %dma_wait3A_346 = arith.constant 0 : i32
      %dma_wait3A_347 = tpu.memref_slice %dma_wait3A_345[%dma_wait3A_334, %dma_wait3A_346] : memref<8x100xi32, #tpu.memory_space<vmem>> -> memref<1x100xi32, #tpu.memory_space<vmem>>
      %dma_wait3A_348 = tpu.memref_squeeze %dma_wait3A_347 : memref<1x100xi32, #tpu.memory_space<vmem>> -> memref<100xi32, #tpu.memory_space<vmem>>
      %dma_wait3A_349 = arith.constant 0 : i32
      %dma_wait3A_350 = arith.constant 0 : i32
      %dma_wait3A_351 = tpu.memref_slice %arg3[%dma_wait3A_349, %dma_wait3A_350] : memref<1000000x64xf32, #tpu.memory_space<hbm>> -> memref<1000000x64xf32, #tpu.memory_space<hbm>>
      tpu.wait_indirect_dma semaphore(%arg10 : memref<!tpu.dma_semaphore, #tpu.memory_space<semaphore_mem>>) src(%dma_wait3A_351 : memref<1000000x64xf32, #tpu.memory_space<hbm>>) dst(%dma_wait3A_341 : memref<100x64xf32, #tpu.memory_space<vmem>>)
      %add3A_352 = arith.constant 1 : i32
      %add3A_353 = arith.addi %scan3A_198, %add3A_352 : i32
      %lt3A_354 = arith.constant 32 : i32
      %lt3A_355 = arith.cmpi slt, %add3A_353, %lt3A_354 : i32
      %convert_element_type3A_356 = arith.extui %lt3A_355 : i1 to i32
      %cond3A_357 = arith.constant 0 : i32
      %cond3A_358 = arith.cmpi ne, %convert_element_type3A_356, %cond3A_357 : i32
      scf.if %cond3A_358 {
        %add3A_376 = arith.constant 1 : i32
        %add3A_377 = arith.addi %scan3A_198, %add3A_376 : i32
        %mul3A_378 = arith.constant 8 : i32
        %mul3A_379 = arith.muli %add3A_377, %mul3A_378 : i32
        %add3A_380 = arith.addi %mul3A_2, %mul3A_379 : i32
        %dma_wait3A_381 = arith.constant 0 : i32
        %dma_wait3A_382 = arith.constant 0 : i32
        %dma_wait3A_383 = tpu.memref_slice %arg6[%rem3A_203, %dma_wait3A_381, %dma_wait3A_382] : memref<2x8x100xi32, #tpu.memory_space<vmem>> -> memref<1x8x100xi32, #tpu.memory_space<vmem>>
        %dma_wait3A_384 = tpu.memref_squeeze %dma_wait3A_383 : memref<1x8x100xi32, #tpu.memory_space<vmem>> -> memref<8x100xi32, #tpu.memory_space<vmem>>
        %dma_wait3A_385 = arith.constant 0 : i32
        %dma_wait3A_386 = tpu.memref_slice %arg2[%add3A_380, %dma_wait3A_385] : memref<8192x100xi32, #tpu.memory_space<hbm>> -> memref<8x100xi32, #tpu.memory_space<hbm>>
        %dma_wait3A_387 = arith.constant 0 : i32
        %dma_wait3A_388 = arith.constant 0 : i32
        %dma_wait3A_389 = tpu.memref_slice %arg6[%rem3A_203, %dma_wait3A_387, %dma_wait3A_388] : memref<2x8x100xi32, #tpu.memory_space<vmem>> -> memref<1x8x100xi32, #tpu.memory_space<vmem>>
        %dma_wait3A_390 = tpu.memref_squeeze %dma_wait3A_389 : memref<1x8x100xi32, #tpu.memory_space<vmem>> -> memref<8x100xi32, #tpu.memory_space<vmem>>
        %dma_wait3A_391 = arith.constant 0 : i32
        %dma_wait3A_392 = tpu.memref_slice %arg2[%add3A_380, %dma_wait3A_391] : memref<8192x100xi32, #tpu.memory_space<hbm>> -> memref<8x100xi32, #tpu.memory_space<hbm>>
        tpu.wait_dma2 semaphore(%arg9 : memref<!tpu.dma_semaphore, #tpu.memory_space<semaphore_mem>>) src(%dma_wait3A_392 : memref<8x100xi32, #tpu.memory_space<hbm>>) dst(%dma_wait3A_390 : memref<8x100xi32, #tpu.memory_space<vmem>>)
        %gt3A = arith.constant 0 : i32
        %gt3A_393 = arith.cmpi sgt, %scan3A_198, %gt3A : i32
        %convert_element_type3A_394 = arith.extui %gt3A_393 : i1 to i32
        %cond3A_395 = arith.constant 0 : i32
        %cond3A_396 = arith.cmpi ne, %convert_element_type3A_394, %cond3A_395 : i32
        scf.if %cond3A_396 {
          %sub3A = arith.constant 1 : i32
          %sub3A_543 = arith.subi %scan3A_198, %sub3A : i32
          %mul3A_544 = arith.constant 800 : i32
          %mul3A_545 = arith.muli %sub3A_543, %mul3A_544 : i32
          %add3A_546 = arith.addi %mul3A_4, %mul3A_545 : i32
          %dma_wait3A_547 = arith.constant 0 : i32
          %dma_wait3A_548 = arith.constant 0 : i32
          %dma_wait3A_549 = tpu.memref_slice %arg7[%rem3A_203, %dma_wait3A_547, %dma_wait3A_548] : memref<2x800x64xf32, #tpu.memory_space<vmem>> -> memref<1x800x64xf32, #tpu.memory_space<vmem>>
          %dma_wait3A_550 = tpu.memref_squeeze %dma_wait3A_549 : memref<1x800x64xf32, #tpu.memory_space<vmem>> -> memref<800x64xf32, #tpu.memory_space<vmem>>
          %dma_wait3A_551 = arith.constant 0 : i32
          %dma_wait3A_552 = tpu.memref_slice %arg5[%add3A_546, %dma_wait3A_551] : memref<819200x64xf32, #tpu.memory_space<hbm>> -> memref<800x64xf32, #tpu.memory_space<hbm>>
          %dma_wait3A_553 = arith.constant 0 : i32
          %dma_wait3A_554 = tpu.memref_slice %arg5[%add3A_546, %dma_wait3A_553] : memref<819200x64xf32, #tpu.memory_space<hbm>> -> memref<800x64xf32, #tpu.memory_space<hbm>>
          %dma_wait3A_555 = arith.constant 0 : i32
          %dma_wait3A_556 = arith.constant 0 : i32
          %dma_wait3A_557 = tpu.memref_slice %arg7[%rem3A_203, %dma_wait3A_555, %dma_wait3A_556] : memref<2x800x64xf32, #tpu.memory_space<vmem>> -> memref<1x800x64xf32, #tpu.memory_space<vmem>>
          %dma_wait3A_558 = tpu.memref_squeeze %dma_wait3A_557 : memref<1x800x64xf32, #tpu.memory_space<vmem>> -> memref<800x64xf32, #tpu.memory_space<vmem>>
          tpu.wait_dma2 semaphore(%arg11 : memref<!tpu.dma_semaphore, #tpu.memory_space<semaphore_mem>>) src(%dma_wait3A_558 : memref<800x64xf32, #tpu.memory_space<vmem>>) dst(%dma_wait3A_554 : memref<800x64xf32, #tpu.memory_space<hbm>>)
        } else {
        }
        %add3A_397 = arith.constant 1 : i32
        %add3A_398 = arith.addi %scan3A_198, %add3A_397 : i32
        %dma_start3A_399 = arith.constant 0 : i32
        %dma_start3A_400 = arith.constant 0 : i32
        %dma_start3A_401 = arith.constant 0 : i32
        %dma_start3A_402 = tpu.memref_slice %arg7[%rem3A_203, %dma_start3A_400, %dma_start3A_401] : memref<2x800x64xf32, #tpu.memory_space<vmem>> -> memref<1x800x64xf32, #tpu.memory_space<vmem>>
        %dma_start3A_403 = tpu.memref_squeeze %dma_start3A_402 : memref<1x800x64xf32, #tpu.memory_space<vmem>> -> memref<800x64xf32, #tpu.memory_space<vmem>>
        %dma_start3A_404 = arith.constant 0 : i32
        %dma_start3A_405 = arith.constant 0 : i32
        %dma_start3A_406 = tpu.memref_slice %dma_start3A_403[%dma_start3A_404, %dma_start3A_405] : memref<800x64xf32, #tpu.memory_space<vmem>> -> memref<100x64xf32, #tpu.memory_space<vmem>>
        %dma_start3A_407 = arith.constant 0 : i32
        %dma_start3A_408 = arith.constant 0 : i32
        %dma_start3A_409 = tpu.memref_slice %arg6[%rem3A_203, %dma_start3A_407, %dma_start3A_408] : memref<2x8x100xi32, #tpu.memory_space<vmem>> -> memref<1x8x100xi32, #tpu.memory_space<vmem>>
        %dma_start3A_410 = tpu.memref_squeeze %dma_start3A_409 : memref<1x8x100xi32, #tpu.memory_space<vmem>> -> memref<8x100xi32, #tpu.memory_space<vmem>>
        %dma_start3A_411 = arith.constant 0 : i32
        %dma_start3A_412 = tpu.memref_slice %dma_start3A_410[%dma_start3A_399, %dma_start3A_411] : memref<8x100xi32, #tpu.memory_space<vmem>> -> memref<1x100xi32, #tpu.memory_space<vmem>>
        %dma_start3A_413 = tpu.memref_squeeze %dma_start3A_412 : memref<1x100xi32, #tpu.memory_space<vmem>> -> memref<100xi32, #tpu.memory_space<vmem>>
        %dma_start3A_414 = arith.constant 0 : i32
        %dma_start3A_415 = arith.constant 0 : i32
        %dma_start3A_416 = tpu.memref_slice %arg3[%dma_start3A_414, %dma_start3A_415] : memref<1000000x64xf32, #tpu.memory_space<hbm>> -> memref<1000000x64xf32, #tpu.memory_space<hbm>>
        tpu.enqueue_indirect_dma source(%dma_start3A_416 : memref<1000000x64xf32, #tpu.memory_space<hbm>>) target(%dma_start3A_406 : memref<100x64xf32, #tpu.memory_space<vmem>>) offsets(%dma_start3A_413 : memref<100xi32, #tpu.memory_space<vmem>>) semaphore(%arg10 : memref<!tpu.dma_semaphore, #tpu.memory_space<semaphore_mem>>)
        %dma_start3A_417 = arith.constant 1 : i32
        %dma_start3A_418 = arith.constant 0 : i32
        %dma_start3A_419 = arith.constant 0 : i32
        %dma_start3A_420 = tpu.memref_slice %arg7[%rem3A_203, %dma_start3A_418, %dma_start3A_419] : memref<2x800x64xf32, #tpu.memory_space<vmem>> -> memref<1x800x64xf32, #tpu.memory_space<vmem>>
        %dma_start3A_421 = tpu.memref_squeeze %dma_start3A_420 : memref<1x800x64xf32, #tpu.memory_space<vmem>> -> memref<800x64xf32, #tpu.memory_space<vmem>>
        %dma_start3A_422 = arith.constant 100 : i32
        %dma_start3A_423 = arith.constant 0 : i32
        %dma_start3A_424 = tpu.memref_slice %dma_start3A_421[%dma_start3A_422, %dma_start3A_423] : memref<800x64xf32, #tpu.memory_space<vmem>> -> memref<100x64xf32, #tpu.memory_space<vmem>>
        %dma_start3A_425 = arith.constant 0 : i32
        %dma_start3A_426 = arith.constant 0 : i32
        %dma_start3A_427 = tpu.memref_slice %arg6[%rem3A_203, %dma_start3A_425, %dma_start3A_426] : memref<2x8x100xi32, #tpu.memory_space<vmem>> -> memref<1x8x100xi32, #tpu.memory_space<vmem>>
        %dma_start3A_428 = tpu.memref_squeeze %dma_start3A_427 : memref<1x8x100xi32, #tpu.memory_space<vmem>> -> memref<8x100xi32, #tpu.memory_space<vmem>>
        %dma_start3A_429 = arith.constant 0 : i32
        %dma_start3A_430 = tpu.memref_slice %dma_start3A_428[%dma_start3A_417, %dma_start3A_429] : memref<8x100xi32, #tpu.memory_space<vmem>> -> memref<1x100xi32, #tpu.memory_space<vmem>>
        %dma_start3A_431 = tpu.memref_squeeze %dma_start3A_430 : memref<1x100xi32, #tpu.memory_space<vmem>> -> memref<100xi32, #tpu.memory_space<vmem>>
        %dma_start3A_432 = arith.constant 0 : i32
        %dma_start3A_433 = arith.constant 0 : i32
        %dma_start3A_434 = tpu.memref_slice %arg3[%dma_start3A_432, %dma_start3A_433] : memref<1000000x64xf32, #tpu.memory_space<hbm>> -> memref<1000000x64xf32, #tpu.memory_space<hbm>>
        tpu.enqueue_indirect_dma source(%dma_start3A_434 : memref<1000000x64xf32, #tpu.memory_space<hbm>>) target(%dma_start3A_424 : memref<100x64xf32, #tpu.memory_space<vmem>>) offsets(%dma_start3A_431 : memref<100xi32, #tpu.memory_space<vmem>>) semaphore(%arg10 : memref<!tpu.dma_semaphore, #tpu.memory_space<semaphore_mem>>)
        %dma_start3A_435 = arith.constant 2 : i32
        %dma_start3A_436 = arith.constant 0 : i32
        %dma_start3A_437 = arith.constant 0 : i32
        %dma_start3A_438 = tpu.memref_slice %arg7[%rem3A_203, %dma_start3A_436, %dma_start3A_437] : memref<2x800x64xf32, #tpu.memory_space<vmem>> -> memref<1x800x64xf32, #tpu.memory_space<vmem>>
        %dma_start3A_439 = tpu.memref_squeeze %dma_start3A_438 : memref<1x800x64xf32, #tpu.memory_space<vmem>> -> memref<800x64xf32, #tpu.memory_space<vmem>>
        %dma_start3A_440 = arith.constant 200 : i32
        %dma_start3A_441 = arith.constant 0 : i32
        %dma_start3A_442 = tpu.memref_slice %dma_start3A_439[%dma_start3A_440, %dma_start3A_441] : memref<800x64xf32, #tpu.memory_space<vmem>> -> memref<100x64xf32, #tpu.memory_space<vmem>>
        %dma_start3A_443 = arith.constant 0 : i32
        %dma_start3A_444 = arith.constant 0 : i32
        %dma_start3A_445 = tpu.memref_slice %arg6[%rem3A_203, %dma_start3A_443, %dma_start3A_444] : memref<2x8x100xi32, #tpu.memory_space<vmem>> -> memref<1x8x100xi32, #tpu.memory_space<vmem>>
        %dma_start3A_446 = tpu.memref_squeeze %dma_start3A_445 : memref<1x8x100xi32, #tpu.memory_space<vmem>> -> memref<8x100xi32, #tpu.memory_space<vmem>>
        %dma_start3A_447 = arith.constant 0 : i32
        %dma_start3A_448 = tpu.memref_slice %dma_start3A_446[%dma_start3A_435, %dma_start3A_447] : memref<8x100xi32, #tpu.memory_space<vmem>> -> memref<1x100xi32, #tpu.memory_space<vmem>>
        %dma_start3A_449 = tpu.memref_squeeze %dma_start3A_448 : memref<1x100xi32, #tpu.memory_space<vmem>> -> memref<100xi32, #tpu.memory_space<vmem>>
        %dma_start3A_450 = arith.constant 0 : i32
        %dma_start3A_451 = arith.constant 0 : i32
        %dma_start3A_452 = tpu.memref_slice %arg3[%dma_start3A_450, %dma_start3A_451] : memref<1000000x64xf32, #tpu.memory_space<hbm>> -> memref<1000000x64xf32, #tpu.memory_space<hbm>>
        tpu.enqueue_indirect_dma source(%dma_start3A_452 : memref<1000000x64xf32, #tpu.memory_space<hbm>>) target(%dma_start3A_442 : memref<100x64xf32, #tpu.memory_space<vmem>>) offsets(%dma_start3A_449 : memref<100xi32, #tpu.memory_space<vmem>>) semaphore(%arg10 : memref<!tpu.dma_semaphore, #tpu.memory_space<semaphore_mem>>)
        %dma_start3A_453 = arith.constant 3 : i32
        %dma_start3A_454 = arith.constant 0 : i32
        %dma_start3A_455 = arith.constant 0 : i32
        %dma_start3A_456 = tpu.memref_slice %arg7[%rem3A_203, %dma_start3A_454, %dma_start3A_455] : memref<2x800x64xf32, #tpu.memory_space<vmem>> -> memref<1x800x64xf32, #tpu.memory_space<vmem>>
        %dma_start3A_457 = tpu.memref_squeeze %dma_start3A_456 : memref<1x800x64xf32, #tpu.memory_space<vmem>> -> memref<800x64xf32, #tpu.memory_space<vmem>>
        %dma_start3A_458 = arith.constant 300 : i32
        %dma_start3A_459 = arith.constant 0 : i32
        %dma_start3A_460 = tpu.memref_slice %dma_start3A_457[%dma_start3A_458, %dma_start3A_459] : memref<800x64xf32, #tpu.memory_space<vmem>> -> memref<100x64xf32, #tpu.memory_space<vmem>>
        %dma_start3A_461 = arith.constant 0 : i32
        %dma_start3A_462 = arith.constant 0 : i32
        %dma_start3A_463 = tpu.memref_slice %arg6[%rem3A_203, %dma_start3A_461, %dma_start3A_462] : memref<2x8x100xi32, #tpu.memory_space<vmem>> -> memref<1x8x100xi32, #tpu.memory_space<vmem>>
        %dma_start3A_464 = tpu.memref_squeeze %dma_start3A_463 : memref<1x8x100xi32, #tpu.memory_space<vmem>> -> memref<8x100xi32, #tpu.memory_space<vmem>>
        %dma_start3A_465 = arith.constant 0 : i32
        %dma_start3A_466 = tpu.memref_slice %dma_start3A_464[%dma_start3A_453, %dma_start3A_465] : memref<8x100xi32, #tpu.memory_space<vmem>> -> memref<1x100xi32, #tpu.memory_space<vmem>>
        %dma_start3A_467 = tpu.memref_squeeze %dma_start3A_466 : memref<1x100xi32, #tpu.memory_space<vmem>> -> memref<100xi32, #tpu.memory_space<vmem>>
        %dma_start3A_468 = arith.constant 0 : i32
        %dma_start3A_469 = arith.constant 0 : i32
        %dma_start3A_470 = tpu.memref_slice %arg3[%dma_start3A_468, %dma_start3A_469] : memref<1000000x64xf32, #tpu.memory_space<hbm>> -> memref<1000000x64xf32, #tpu.memory_space<hbm>>
        tpu.enqueue_indirect_dma source(%dma_start3A_470 : memref<1000000x64xf32, #tpu.memory_space<hbm>>) target(%dma_start3A_460 : memref<100x64xf32, #tpu.memory_space<vmem>>) offsets(%dma_start3A_467 : memref<100xi32, #tpu.memory_space<vmem>>) semaphore(%arg10 : memref<!tpu.dma_semaphore, #tpu.memory_space<semaphore_mem>>)
        %dma_start3A_471 = arith.constant 4 : i32
        %dma_start3A_472 = arith.constant 0 : i32
        %dma_start3A_473 = arith.constant 0 : i32
        %dma_start3A_474 = tpu.memref_slice %arg7[%rem3A_203, %dma_start3A_472, %dma_start3A_473] : memref<2x800x64xf32, #tpu.memory_space<vmem>> -> memref<1x800x64xf32, #tpu.memory_space<vmem>>
        %dma_start3A_475 = tpu.memref_squeeze %dma_start3A_474 : memref<1x800x64xf32, #tpu.memory_space<vmem>> -> memref<800x64xf32, #tpu.memory_space<vmem>>
        %dma_start3A_476 = arith.constant 400 : i32
        %dma_start3A_477 = arith.constant 0 : i32
        %dma_start3A_478 = tpu.memref_slice %dma_start3A_475[%dma_start3A_476, %dma_start3A_477] : memref<800x64xf32, #tpu.memory_space<vmem>> -> memref<100x64xf32, #tpu.memory_space<vmem>>
        %dma_start3A_479 = arith.constant 0 : i32
        %dma_start3A_480 = arith.constant 0 : i32
        %dma_start3A_481 = tpu.memref_slice %arg6[%rem3A_203, %dma_start3A_479, %dma_start3A_480] : memref<2x8x100xi32, #tpu.memory_space<vmem>> -> memref<1x8x100xi32, #tpu.memory_space<vmem>>
        %dma_start3A_482 = tpu.memref_squeeze %dma_start3A_481 : memref<1x8x100xi32, #tpu.memory_space<vmem>> -> memref<8x100xi32, #tpu.memory_space<vmem>>
        %dma_start3A_483 = arith.constant 0 : i32
        %dma_start3A_484 = tpu.memref_slice %dma_start3A_482[%dma_start3A_471, %dma_start3A_483] : memref<8x100xi32, #tpu.memory_space<vmem>> -> memref<1x100xi32, #tpu.memory_space<vmem>>
        %dma_start3A_485 = tpu.memref_squeeze %dma_start3A_484 : memref<1x100xi32, #tpu.memory_space<vmem>> -> memref<100xi32, #tpu.memory_space<vmem>>
        %dma_start3A_486 = arith.constant 0 : i32
        %dma_start3A_487 = arith.constant 0 : i32
        %dma_start3A_488 = tpu.memref_slice %arg3[%dma_start3A_486, %dma_start3A_487] : memref<1000000x64xf32, #tpu.memory_space<hbm>> -> memref<1000000x64xf32, #tpu.memory_space<hbm>>
        tpu.enqueue_indirect_dma source(%dma_start3A_488 : memref<1000000x64xf32, #tpu.memory_space<hbm>>) target(%dma_start3A_478 : memref<100x64xf32, #tpu.memory_space<vmem>>) offsets(%dma_start3A_485 : memref<100xi32, #tpu.memory_space<vmem>>) semaphore(%arg10 : memref<!tpu.dma_semaphore, #tpu.memory_space<semaphore_mem>>)
        %dma_start3A_489 = arith.constant 5 : i32
        %dma_start3A_490 = arith.constant 0 : i32
        %dma_start3A_491 = arith.constant 0 : i32
        %dma_start3A_492 = tpu.memref_slice %arg7[%rem3A_203, %dma_start3A_490, %dma_start3A_491] : memref<2x800x64xf32, #tpu.memory_space<vmem>> -> memref<1x800x64xf32, #tpu.memory_space<vmem>>
        %dma_start3A_493 = tpu.memref_squeeze %dma_start3A_492 : memref<1x800x64xf32, #tpu.memory_space<vmem>> -> memref<800x64xf32, #tpu.memory_space<vmem>>
        %dma_start3A_494 = arith.constant 500 : i32
        %dma_start3A_495 = arith.constant 0 : i32
        %dma_start3A_496 = tpu.memref_slice %dma_start3A_493[%dma_start3A_494, %dma_start3A_495] : memref<800x64xf32, #tpu.memory_space<vmem>> -> memref<100x64xf32, #tpu.memory_space<vmem>>
        %dma_start3A_497 = arith.constant 0 : i32
        %dma_start3A_498 = arith.constant 0 : i32
        %dma_start3A_499 = tpu.memref_slice %arg6[%rem3A_203, %dma_start3A_497, %dma_start3A_498] : memref<2x8x100xi32, #tpu.memory_space<vmem>> -> memref<1x8x100xi32, #tpu.memory_space<vmem>>
        %dma_start3A_500 = tpu.memref_squeeze %dma_start3A_499 : memref<1x8x100xi32, #tpu.memory_space<vmem>> -> memref<8x100xi32, #tpu.memory_space<vmem>>
        %dma_start3A_501 = arith.constant 0 : i32
        %dma_start3A_502 = tpu.memref_slice %dma_start3A_500[%dma_start3A_489, %dma_start3A_501] : memref<8x100xi32, #tpu.memory_space<vmem>> -> memref<1x100xi32, #tpu.memory_space<vmem>>
        %dma_start3A_503 = tpu.memref_squeeze %dma_start3A_502 : memref<1x100xi32, #tpu.memory_space<vmem>> -> memref<100xi32, #tpu.memory_space<vmem>>
        %dma_start3A_504 = arith.constant 0 : i32
        %dma_start3A_505 = arith.constant 0 : i32
        %dma_start3A_506 = tpu.memref_slice %arg3[%dma_start3A_504, %dma_start3A_505] : memref<1000000x64xf32, #tpu.memory_space<hbm>> -> memref<1000000x64xf32, #tpu.memory_space<hbm>>
        tpu.enqueue_indirect_dma source(%dma_start3A_506 : memref<1000000x64xf32, #tpu.memory_space<hbm>>) target(%dma_start3A_496 : memref<100x64xf32, #tpu.memory_space<vmem>>) offsets(%dma_start3A_503 : memref<100xi32, #tpu.memory_space<vmem>>) semaphore(%arg10 : memref<!tpu.dma_semaphore, #tpu.memory_space<semaphore_mem>>)
        %dma_start3A_507 = arith.constant 6 : i32
        %dma_start3A_508 = arith.constant 0 : i32
        %dma_start3A_509 = arith.constant 0 : i32
        %dma_start3A_510 = tpu.memref_slice %arg7[%rem3A_203, %dma_start3A_508, %dma_start3A_509] : memref<2x800x64xf32, #tpu.memory_space<vmem>> -> memref<1x800x64xf32, #tpu.memory_space<vmem>>
        %dma_start3A_511 = tpu.memref_squeeze %dma_start3A_510 : memref<1x800x64xf32, #tpu.memory_space<vmem>> -> memref<800x64xf32, #tpu.memory_space<vmem>>
        %dma_start3A_512 = arith.constant 600 : i32
        %dma_start3A_513 = arith.constant 0 : i32
        %dma_start3A_514 = tpu.memref_slice %dma_start3A_511[%dma_start3A_512, %dma_start3A_513] : memref<800x64xf32, #tpu.memory_space<vmem>> -> memref<100x64xf32, #tpu.memory_space<vmem>>
        %dma_start3A_515 = arith.constant 0 : i32
        %dma_start3A_516 = arith.constant 0 : i32
        %dma_start3A_517 = tpu.memref_slice %arg6[%rem3A_203, %dma_start3A_515, %dma_start3A_516] : memref<2x8x100xi32, #tpu.memory_space<vmem>> -> memref<1x8x100xi32, #tpu.memory_space<vmem>>
        %dma_start3A_518 = tpu.memref_squeeze %dma_start3A_517 : memref<1x8x100xi32, #tpu.memory_space<vmem>> -> memref<8x100xi32, #tpu.memory_space<vmem>>
        %dma_start3A_519 = arith.constant 0 : i32
        %dma_start3A_520 = tpu.memref_slice %dma_start3A_518[%dma_start3A_507, %dma_start3A_519] : memref<8x100xi32, #tpu.memory_space<vmem>> -> memref<1x100xi32, #tpu.memory_space<vmem>>
        %dma_start3A_521 = tpu.memref_squeeze %dma_start3A_520 : memref<1x100xi32, #tpu.memory_space<vmem>> -> memref<100xi32, #tpu.memory_space<vmem>>
        %dma_start3A_522 = arith.constant 0 : i32
        %dma_start3A_523 = arith.constant 0 : i32
        %dma_start3A_524 = tpu.memref_slice %arg3[%dma_start3A_522, %dma_start3A_523] : memref<1000000x64xf32, #tpu.memory_space<hbm>> -> memref<1000000x64xf32, #tpu.memory_space<hbm>>
        tpu.enqueue_indirect_dma source(%dma_start3A_524 : memref<1000000x64xf32, #tpu.memory_space<hbm>>) target(%dma_start3A_514 : memref<100x64xf32, #tpu.memory_space<vmem>>) offsets(%dma_start3A_521 : memref<100xi32, #tpu.memory_space<vmem>>) semaphore(%arg10 : memref<!tpu.dma_semaphore, #tpu.memory_space<semaphore_mem>>)
        %dma_start3A_525 = arith.constant 7 : i32
        %dma_start3A_526 = arith.constant 0 : i32
        %dma_start3A_527 = arith.constant 0 : i32
        %dma_start3A_528 = tpu.memref_slice %arg7[%rem3A_203, %dma_start3A_526, %dma_start3A_527] : memref<2x800x64xf32, #tpu.memory_space<vmem>> -> memref<1x800x64xf32, #tpu.memory_space<vmem>>
        %dma_start3A_529 = tpu.memref_squeeze %dma_start3A_528 : memref<1x800x64xf32, #tpu.memory_space<vmem>> -> memref<800x64xf32, #tpu.memory_space<vmem>>
        %dma_start3A_530 = arith.constant 700 : i32
        %dma_start3A_531 = arith.constant 0 : i32
        %dma_start3A_532 = tpu.memref_slice %dma_start3A_529[%dma_start3A_530, %dma_start3A_531] : memref<800x64xf32, #tpu.memory_space<vmem>> -> memref<100x64xf32, #tpu.memory_space<vmem>>
        %dma_start3A_533 = arith.constant 0 : i32
        %dma_start3A_534 = arith.constant 0 : i32
        %dma_start3A_535 = tpu.memref_slice %arg6[%rem3A_203, %dma_start3A_533, %dma_start3A_534] : memref<2x8x100xi32, #tpu.memory_space<vmem>> -> memref<1x8x100xi32, #tpu.memory_space<vmem>>
        %dma_start3A_536 = tpu.memref_squeeze %dma_start3A_535 : memref<1x8x100xi32, #tpu.memory_space<vmem>> -> memref<8x100xi32, #tpu.memory_space<vmem>>
        %dma_start3A_537 = arith.constant 0 : i32
        %dma_start3A_538 = tpu.memref_slice %dma_start3A_536[%dma_start3A_525, %dma_start3A_537] : memref<8x100xi32, #tpu.memory_space<vmem>> -> memref<1x100xi32, #tpu.memory_space<vmem>>
        %dma_start3A_539 = tpu.memref_squeeze %dma_start3A_538 : memref<1x100xi32, #tpu.memory_space<vmem>> -> memref<100xi32, #tpu.memory_space<vmem>>
        %dma_start3A_540 = arith.constant 0 : i32
        %dma_start3A_541 = arith.constant 0 : i32
        %dma_start3A_542 = tpu.memref_slice %arg3[%dma_start3A_540, %dma_start3A_541] : memref<1000000x64xf32, #tpu.memory_space<hbm>> -> memref<1000000x64xf32, #tpu.memory_space<hbm>>
        tpu.enqueue_indirect_dma source(%dma_start3A_542 : memref<1000000x64xf32, #tpu.memory_space<hbm>>) target(%dma_start3A_532 : memref<100x64xf32, #tpu.memory_space<vmem>>) offsets(%dma_start3A_539 : memref<100xi32, #tpu.memory_space<vmem>>) semaphore(%arg10 : memref<!tpu.dma_semaphore, #tpu.memory_space<semaphore_mem>>)
      } else {
      }
      %parallel_loop3A = arith.constant 0 : i32
      %parallel_loop3A_359 = arith.constant 200 : i32
      %parallel_loop3A_360 = arith.constant 1 : i32
      scf.for %parallel_loop3A_376 = %parallel_loop3A to %parallel_loop3A_359 step %parallel_loop3A_360  : i32 {
        %parallel_loop3A_377 = arith.index_cast %parallel_loop3A_376 : i32 to index
        %parallel_loop3A_378 = arith.constant 0 : index
        %parallel_loop3A_379 = tpu.vector_load %arg8[%parallel_loop3A_377, %parallel_loop3A_378] {strides = array<i32>} : memref<200x64xf32, #tpu.memory_space<vmem>>, vector<1x16xf32>,
        %parallel_loop3A_380 = vector.shape_cast %parallel_loop3A_379 : vector<1x16xf32> to vector<16xf32>
        %parallel_loop3A_381 = arith.index_cast %parallel_loop3A_376 : i32 to index
        %parallel_loop3A_382 = arith.constant 16 : index
        %parallel_loop3A_383 = tpu.vector_load %arg8[%parallel_loop3A_381, %parallel_loop3A_382] {strides = array<i32>} : memref<200x64xf32, #tpu.memory_space<vmem>>, vector<1x16xf32>,
        %parallel_loop3A_384 = vector.shape_cast %parallel_loop3A_383 : vector<1x16xf32> to vector<16xf32>
        %parallel_loop3A_385 = arith.index_cast %parallel_loop3A_376 : i32 to index
        %parallel_loop3A_386 = arith.constant 32 : index
        %parallel_loop3A_387 = tpu.vector_load %arg8[%parallel_loop3A_385, %parallel_loop3A_386] {strides = array<i32>} : memref<200x64xf32, #tpu.memory_space<vmem>>, vector<1x16xf32>,
        %parallel_loop3A_388 = vector.shape_cast %parallel_loop3A_387 : vector<1x16xf32> to vector<16xf32>
        %parallel_loop3A_389 = arith.index_cast %parallel_loop3A_376 : i32 to index
        %parallel_loop3A_390 = arith.constant 48 : index
        %parallel_loop3A_391 = tpu.vector_load %arg8[%parallel_loop3A_389, %parallel_loop3A_390] {strides = array<i32>} : memref<200x64xf32, #tpu.memory_space<vmem>>, vector<1x16xf32>,
        %parallel_loop3A_392 = vector.shape_cast %parallel_loop3A_391 : vector<1x16xf32> to vector<16xf32>
        %parallel_loop3A_393 = arith.constant 0 : i32
        %parallel_loop3A_394 = arith.addi %parallel_loop3A_393, %parallel_loop3A_376 : i32
        %parallel_loop3A_395 = arith.index_cast %rem3A_199 : i32 to index
        %parallel_loop3A_396 = arith.index_cast %parallel_loop3A_394 : i32 to index
        %parallel_loop3A_397 = arith.constant 0 : index
        %parallel_loop3A_398 = tpu.vector_load %arg7[%parallel_loop3A_395, %parallel_loop3A_396, %parallel_loop3A_397] {strides = array<i32>} : memref<2x800x64xf32, #tpu.memory_space<vmem>>, vector<1x1x16xf32>,
        %parallel_loop3A_399 = vector.shape_cast %parallel_loop3A_398 : vector<1x1x16xf32> to vector<16xf32>
        %parallel_loop3A_400 = arith.addf %parallel_loop3A_399, %parallel_loop3A_380 : vector<16xf32>
        %parallel_loop3A_401 = arith.index_cast %rem3A_199 : i32 to index
        %parallel_loop3A_402 = arith.index_cast %parallel_loop3A_394 : i32 to index
        %parallel_loop3A_403 = arith.constant 0 : index
        %parallel_loop3A_404 = tpu.vector_load %arg7[%parallel_loop3A_401, %parallel_loop3A_402, %parallel_loop3A_403] {strides = array<i32>} : memref<2x800x64xf32, #tpu.memory_space<vmem>>, vector<1x1x16xf32>,
        %parallel_loop3A_405 = vector.shape_cast %parallel_loop3A_404 : vector<1x1x16xf32> to vector<16xf32>
        %parallel_loop3A_406 = vector.shape_cast %parallel_loop3A_400 : vector<16xf32> to vector<1x1x16xf32>
        tpu.vector_store %arg7[%parallel_loop3A_401, %parallel_loop3A_402, %parallel_loop3A_403], %parallel_loop3A_406 {strides = array<i32>} : memref<2x800x64xf32, #tpu.memory_space<vmem>>, vector<1x1x16xf32>,
        %parallel_loop3A_407 = arith.index_cast %rem3A_199 : i32 to index
        %parallel_loop3A_408 = arith.index_cast %parallel_loop3A_394 : i32 to index
        %parallel_loop3A_409 = arith.constant 16 : index
        %parallel_loop3A_410 = tpu.vector_load %arg7[%parallel_loop3A_407, %parallel_loop3A_408, %parallel_loop3A_409] {strides = array<i32>} : memref<2x800x64xf32, #tpu.memory_space<vmem>>, vector<1x1x16xf32>,
        %parallel_loop3A_411 = vector.shape_cast %parallel_loop3A_410 : vector<1x1x16xf32> to vector<16xf32>
        %parallel_loop3A_412 = arith.addf %parallel_loop3A_411, %parallel_loop3A_384 : vector<16xf32>
        %parallel_loop3A_413 = arith.index_cast %rem3A_199 : i32 to index
        %parallel_loop3A_414 = arith.index_cast %parallel_loop3A_394 : i32 to index
        %parallel_loop3A_415 = arith.constant 16 : index
        %parallel_loop3A_416 = tpu.vector_load %arg7[%parallel_loop3A_413, %parallel_loop3A_414, %parallel_loop3A_415] {strides = array<i32>} : memref<2x800x64xf32, #tpu.memory_space<vmem>>, vector<1x1x16xf32>,
        %parallel_loop3A_417 = vector.shape_cast %parallel_loop3A_416 : vector<1x1x16xf32> to vector<16xf32>
        %parallel_loop3A_418 = vector.shape_cast %parallel_loop3A_412 : vector<16xf32> to vector<1x1x16xf32>
        tpu.vector_store %arg7[%parallel_loop3A_413, %parallel_loop3A_414, %parallel_loop3A_415], %parallel_loop3A_418 {strides = array<i32>} : memref<2x800x64xf32, #tpu.memory_space<vmem>>, vector<1x1x16xf32>,
        %parallel_loop3A_419 = arith.index_cast %rem3A_199 : i32 to index
        %parallel_loop3A_420 = arith.index_cast %parallel_loop3A_394 : i32 to index
        %parallel_loop3A_421 = arith.constant 32 : index
        %parallel_loop3A_422 = tpu.vector_load %arg7[%parallel_loop3A_419, %parallel_loop3A_420, %parallel_loop3A_421] {strides = array<i32>} : memref<2x800x64xf32, #tpu.memory_space<vmem>>, vector<1x1x16xf32>,
        %parallel_loop3A_423 = vector.shape_cast %parallel_loop3A_422 : vector<1x1x16xf32> to vector<16xf32>
        %parallel_loop3A_424 = arith.addf %parallel_loop3A_423, %parallel_loop3A_388 : vector<16xf32>
        %parallel_loop3A_425 = arith.index_cast %rem3A_199 : i32 to index
        %parallel_loop3A_426 = arith.index_cast %parallel_loop3A_394 : i32 to index
        %parallel_loop3A_427 = arith.constant 32 : index
        %parallel_loop3A_428 = tpu.vector_load %arg7[%parallel_loop3A_425, %parallel_loop3A_426, %parallel_loop3A_427] {strides = array<i32>} : memref<2x800x64xf32, #tpu.memory_space<vmem>>, vector<1x1x16xf32>,
        %parallel_loop3A_429 = vector.shape_cast %parallel_loop3A_428 : vector<1x1x16xf32> to vector<16xf32>
        %parallel_loop3A_430 = vector.shape_cast %parallel_loop3A_424 : vector<16xf32> to vector<1x1x16xf32>
        tpu.vector_store %arg7[%parallel_loop3A_425, %parallel_loop3A_426, %parallel_loop3A_427], %parallel_loop3A_430 {strides = array<i32>} : memref<2x800x64xf32, #tpu.memory_space<vmem>>, vector<1x1x16xf32>,
        %parallel_loop3A_431 = arith.index_cast %rem3A_199 : i32 to index
        %parallel_loop3A_432 = arith.index_cast %parallel_loop3A_394 : i32 to index
        %parallel_loop3A_433 = arith.constant 48 : index
        %parallel_loop3A_434 = tpu.vector_load %arg7[%parallel_loop3A_431, %parallel_loop3A_432, %parallel_loop3A_433] {strides = array<i32>} : memref<2x800x64xf32, #tpu.memory_space<vmem>>, vector<1x1x16xf32>,
        %parallel_loop3A_435 = vector.shape_cast %parallel_loop3A_434 : vector<1x1x16xf32> to vector<16xf32>
        %parallel_loop3A_436 = arith.addf %parallel_loop3A_435, %parallel_loop3A_392 : vector<16xf32>
        %parallel_loop3A_437 = arith.index_cast %rem3A_199 : i32 to index
        %parallel_loop3A_438 = arith.index_cast %parallel_loop3A_394 : i32 to index
        %parallel_loop3A_439 = arith.constant 48 : index
        %parallel_loop3A_440 = tpu.vector_load %arg7[%parallel_loop3A_437, %parallel_loop3A_438, %parallel_loop3A_439] {strides = array<i32>} : memref<2x800x64xf32, #tpu.memory_space<vmem>>, vector<1x1x16xf32>,
        %parallel_loop3A_441 = vector.shape_cast %parallel_loop3A_440 : vector<1x1x16xf32> to vector<16xf32>
        %parallel_loop3A_442 = vector.shape_cast %parallel_loop3A_436 : vector<16xf32> to vector<1x1x16xf32>
        tpu.vector_store %arg7[%parallel_loop3A_437, %parallel_loop3A_438, %parallel_loop3A_439], %parallel_loop3A_442 {strides = array<i32>} : memref<2x800x64xf32, #tpu.memory_space<vmem>>, vector<1x1x16xf32>,
        %parallel_loop3A_443 = arith.constant 200 : i32
        %parallel_loop3A_444 = arith.addi %parallel_loop3A_443, %parallel_loop3A_376 : i32
        %parallel_loop3A_445 = arith.index_cast %rem3A_199 : i32 to index
        %parallel_loop3A_446 = arith.index_cast %parallel_loop3A_444 : i32 to index
        %parallel_loop3A_447 = arith.constant 0 : index
        %parallel_loop3A_448 = tpu.vector_load %arg7[%parallel_loop3A_445, %parallel_loop3A_446, %parallel_loop3A_447] {strides = array<i32>} : memref<2x800x64xf32, #tpu.memory_space<vmem>>, vector<1x1x16xf32>,
        %parallel_loop3A_449 = vector.shape_cast %parallel_loop3A_448 : vector<1x1x16xf32> to vector<16xf32>
        %parallel_loop3A_450 = arith.addf %parallel_loop3A_449, %parallel_loop3A_380 : vector<16xf32>
        %parallel_loop3A_451 = arith.index_cast %rem3A_199 : i32 to index
        %parallel_loop3A_452 = arith.index_cast %parallel_loop3A_444 : i32 to index
        %parallel_loop3A_453 = arith.constant 0 : index
        %parallel_loop3A_454 = tpu.vector_load %arg7[%parallel_loop3A_451, %parallel_loop3A_452, %parallel_loop3A_453] {strides = array<i32>} : memref<2x800x64xf32, #tpu.memory_space<vmem>>, vector<1x1x16xf32>,
        %parallel_loop3A_455 = vector.shape_cast %parallel_loop3A_454 : vector<1x1x16xf32> to vector<16xf32>
        %parallel_loop3A_456 = vector.shape_cast %parallel_loop3A_450 : vector<16xf32> to vector<1x1x16xf32>
        tpu.vector_store %arg7[%parallel_loop3A_451, %parallel_loop3A_452, %parallel_loop3A_453], %parallel_loop3A_456 {strides = array<i32>} : memref<2x800x64xf32, #tpu.memory_space<vmem>>, vector<1x1x16xf32>,
        %parallel_loop3A_457 = arith.index_cast %rem3A_199 : i32 to index
        %parallel_loop3A_458 = arith.index_cast %parallel_loop3A_444 : i32 to index
        %parallel_loop3A_459 = arith.constant 16 : index
        %parallel_loop3A_460 = tpu.vector_load %arg7[%parallel_loop3A_457, %parallel_loop3A_458, %parallel_loop3A_459] {strides = array<i32>} : memref<2x800x64xf32, #tpu.memory_space<vmem>>, vector<1x1x16xf32>,
        %parallel_loop3A_461 = vector.shape_cast %parallel_loop3A_460 : vector<1x1x16xf32> to vector<16xf32>
        %parallel_loop3A_462 = arith.addf %parallel_loop3A_461, %parallel_loop3A_384 : vector<16xf32>
        %parallel_loop3A_463 = arith.index_cast %rem3A_199 : i32 to index
        %parallel_loop3A_464 = arith.index_cast %parallel_loop3A_444 : i32 to index
        %parallel_loop3A_465 = arith.constant 16 : index
        %parallel_loop3A_466 = tpu.vector_load %arg7[%parallel_loop3A_463, %parallel_loop3A_464, %parallel_loop3A_465] {strides = array<i32>} : memref<2x800x64xf32, #tpu.memory_space<vmem>>, vector<1x1x16xf32>,
        %parallel_loop3A_467 = vector.shape_cast %parallel_loop3A_466 : vector<1x1x16xf32> to vector<16xf32>
        %parallel_loop3A_468 = vector.shape_cast %parallel_loop3A_462 : vector<16xf32> to vector<1x1x16xf32>
        tpu.vector_store %arg7[%parallel_loop3A_463, %parallel_loop3A_464, %parallel_loop3A_465], %parallel_loop3A_468 {strides = array<i32>} : memref<2x800x64xf32, #tpu.memory_space<vmem>>, vector<1x1x16xf32>,
        %parallel_loop3A_469 = arith.index_cast %rem3A_199 : i32 to index
        %parallel_loop3A_470 = arith.index_cast %parallel_loop3A_444 : i32 to index
        %parallel_loop3A_471 = arith.constant 32 : index
        %parallel_loop3A_472 = tpu.vector_load %arg7[%parallel_loop3A_469, %parallel_loop3A_470, %parallel_loop3A_471] {strides = array<i32>} : memref<2x800x64xf32, #tpu.memory_space<vmem>>, vector<1x1x16xf32>,
        %parallel_loop3A_473 = vector.shape_cast %parallel_loop3A_472 : vector<1x1x16xf32> to vector<16xf32>
        %parallel_loop3A_474 = arith.addf %parallel_loop3A_473, %parallel_loop3A_388 : vector<16xf32>
        %parallel_loop3A_475 = arith.index_cast %rem3A_199 : i32 to index
        %parallel_loop3A_476 = arith.index_cast %parallel_loop3A_444 : i32 to index
        %parallel_loop3A_477 = arith.constant 32 : index
        %parallel_loop3A_478 = tpu.vector_load %arg7[%parallel_loop3A_475, %parallel_loop3A_476, %parallel_loop3A_477] {strides = array<i32>} : memref<2x800x64xf32, #tpu.memory_space<vmem>>, vector<1x1x16xf32>,
        %parallel_loop3A_479 = vector.shape_cast %parallel_loop3A_478 : vector<1x1x16xf32> to vector<16xf32>
        %parallel_loop3A_480 = vector.shape_cast %parallel_loop3A_474 : vector<16xf32> to vector<1x1x16xf32>
        tpu.vector_store %arg7[%parallel_loop3A_475, %parallel_loop3A_476, %parallel_loop3A_477], %parallel_loop3A_480 {strides = array<i32>} : memref<2x800x64xf32, #tpu.memory_space<vmem>>, vector<1x1x16xf32>,
        %parallel_loop3A_481 = arith.index_cast %rem3A_199 : i32 to index
        %parallel_loop3A_482 = arith.index_cast %parallel_loop3A_444 : i32 to index
        %parallel_loop3A_483 = arith.constant 48 : index
        %parallel_loop3A_484 = tpu.vector_load %arg7[%parallel_loop3A_481, %parallel_loop3A_482, %parallel_loop3A_483] {strides = array<i32>} : memref<2x800x64xf32, #tpu.memory_space<vmem>>, vector<1x1x16xf32>,
        %parallel_loop3A_485 = vector.shape_cast %parallel_loop3A_484 : vector<1x1x16xf32> to vector<16xf32>
        %parallel_loop3A_486 = arith.addf %parallel_loop3A_485, %parallel_loop3A_392 : vector<16xf32>
        %parallel_loop3A_487 = arith.index_cast %rem3A_199 : i32 to index
        %parallel_loop3A_488 = arith.index_cast %parallel_loop3A_444 : i32 to index
        %parallel_loop3A_489 = arith.constant 48 : index
        %parallel_loop3A_490 = tpu.vector_load %arg7[%parallel_loop3A_487, %parallel_loop3A_488, %parallel_loop3A_489] {strides = array<i32>} : memref<2x800x64xf32, #tpu.memory_space<vmem>>, vector<1x1x16xf32>,
        %parallel_loop3A_491 = vector.shape_cast %parallel_loop3A_490 : vector<1x1x16xf32> to vector<16xf32>
        %parallel_loop3A_492 = vector.shape_cast %parallel_loop3A_486 : vector<16xf32> to vector<1x1x16xf32>
        tpu.vector_store %arg7[%parallel_loop3A_487, %parallel_loop3A_488, %parallel_loop3A_489], %parallel_loop3A_492 {strides = array<i32>} : memref<2x800x64xf32, #tpu.memory_space<vmem>>, vector<1x1x16xf32>,
        %parallel_loop3A_493 = arith.constant 400 : i32
        %parallel_loop3A_494 = arith.addi %parallel_loop3A_493, %parallel_loop3A_376 : i32
        %parallel_loop3A_495 = arith.index_cast %rem3A_199 : i32 to index
        %parallel_loop3A_496 = arith.index_cast %parallel_loop3A_494 : i32 to index
        %parallel_loop3A_497 = arith.constant 0 : index
        %parallel_loop3A_498 = tpu.vector_load %arg7[%parallel_loop3A_495, %parallel_loop3A_496, %parallel_loop3A_497] {strides = array<i32>} : memref<2x800x64xf32, #tpu.memory_space<vmem>>, vector<1x1x16xf32>,
        %parallel_loop3A_499 = vector.shape_cast %parallel_loop3A_498 : vector<1x1x16xf32> to vector<16xf32>
        %parallel_loop3A_500 = arith.addf %parallel_loop3A_499, %parallel_loop3A_380 : vector<16xf32>
        %parallel_loop3A_501 = arith.index_cast %rem3A_199 : i32 to index
        %parallel_loop3A_502 = arith.index_cast %parallel_loop3A_494 : i32 to index
        %parallel_loop3A_503 = arith.constant 0 : index
        %parallel_loop3A_504 = tpu.vector_load %arg7[%parallel_loop3A_501, %parallel_loop3A_502, %parallel_loop3A_503] {strides = array<i32>} : memref<2x800x64xf32, #tpu.memory_space<vmem>>, vector<1x1x16xf32>,
        %parallel_loop3A_505 = vector.shape_cast %parallel_loop3A_504 : vector<1x1x16xf32> to vector<16xf32>
        %parallel_loop3A_506 = vector.shape_cast %parallel_loop3A_500 : vector<16xf32> to vector<1x1x16xf32>
        tpu.vector_store %arg7[%parallel_loop3A_501, %parallel_loop3A_502, %parallel_loop3A_503], %parallel_loop3A_506 {strides = array<i32>} : memref<2x800x64xf32, #tpu.memory_space<vmem>>, vector<1x1x16xf32>,
        %parallel_loop3A_507 = arith.index_cast %rem3A_199 : i32 to index
        %parallel_loop3A_508 = arith.index_cast %parallel_loop3A_494 : i32 to index
        %parallel_loop3A_509 = arith.constant 16 : index
        %parallel_loop3A_510 = tpu.vector_load %arg7[%parallel_loop3A_507, %parallel_loop3A_508, %parallel_loop3A_509] {strides = array<i32>} : memref<2x800x64xf32, #tpu.memory_space<vmem>>, vector<1x1x16xf32>,
        %parallel_loop3A_511 = vector.shape_cast %parallel_loop3A_510 : vector<1x1x16xf32> to vector<16xf32>
        %parallel_loop3A_512 = arith.addf %parallel_loop3A_511, %parallel_loop3A_384 : vector<16xf32>
        %parallel_loop3A_513 = arith.index_cast %rem3A_199 : i32 to index
        %parallel_loop3A_514 = arith.index_cast %parallel_loop3A_494 : i32 to index
        %parallel_loop3A_515 = arith.constant 16 : index
        %parallel_loop3A_516 = tpu.vector_load %arg7[%parallel_loop3A_513, %parallel_loop3A_514, %parallel_loop3A_515] {strides = array<i32>} : memref<2x800x64xf32, #tpu.memory_space<vmem>>, vector<1x1x16xf32>,
        %parallel_loop3A_517 = vector.shape_cast %parallel_loop3A_516 : vector<1x1x16xf32> to vector<16xf32>
        %parallel_loop3A_518 = vector.shape_cast %parallel_loop3A_512 : vector<16xf32> to vector<1x1x16xf32>
        tpu.vector_store %arg7[%parallel_loop3A_513, %parallel_loop3A_514, %parallel_loop3A_515], %parallel_loop3A_518 {strides = array<i32>} : memref<2x800x64xf32, #tpu.memory_space<vmem>>, vector<1x1x16xf32>,
        %parallel_loop3A_519 = arith.index_cast %rem3A_199 : i32 to index
        %parallel_loop3A_520 = arith.index_cast %parallel_loop3A_494 : i32 to index
        %parallel_loop3A_521 = arith.constant 32 : index
        %parallel_loop3A_522 = tpu.vector_load %arg7[%parallel_loop3A_519, %parallel_loop3A_520, %parallel_loop3A_521] {strides = array<i32>} : memref<2x800x64xf32, #tpu.memory_space<vmem>>, vector<1x1x16xf32>,
        %parallel_loop3A_523 = vector.shape_cast %parallel_loop3A_522 : vector<1x1x16xf32> to vector<16xf32>
        %parallel_loop3A_524 = arith.addf %parallel_loop3A_523, %parallel_loop3A_388 : vector<16xf32>
        %parallel_loop3A_525 = arith.index_cast %rem3A_199 : i32 to index
        %parallel_loop3A_526 = arith.index_cast %parallel_loop3A_494 : i32 to index
        %parallel_loop3A_527 = arith.constant 32 : index
        %parallel_loop3A_528 = tpu.vector_load %arg7[%parallel_loop3A_525, %parallel_loop3A_526, %parallel_loop3A_527] {strides = array<i32>} : memref<2x800x64xf32, #tpu.memory_space<vmem>>, vector<1x1x16xf32>,
        %parallel_loop3A_529 = vector.shape_cast %parallel_loop3A_528 : vector<1x1x16xf32> to vector<16xf32>
        %parallel_loop3A_530 = vector.shape_cast %parallel_loop3A_524 : vector<16xf32> to vector<1x1x16xf32>
        tpu.vector_store %arg7[%parallel_loop3A_525, %parallel_loop3A_526, %parallel_loop3A_527], %parallel_loop3A_530 {strides = array<i32>} : memref<2x800x64xf32, #tpu.memory_space<vmem>>, vector<1x1x16xf32>,
        %parallel_loop3A_531 = arith.index_cast %rem3A_199 : i32 to index
        %parallel_loop3A_532 = arith.index_cast %parallel_loop3A_494 : i32 to index
        %parallel_loop3A_533 = arith.constant 48 : index
        %parallel_loop3A_534 = tpu.vector_load %arg7[%parallel_loop3A_531, %parallel_loop3A_532, %parallel_loop3A_533] {strides = array<i32>} : memref<2x800x64xf32, #tpu.memory_space<vmem>>, vector<1x1x16xf32>,
        %parallel_loop3A_535 = vector.shape_cast %parallel_loop3A_534 : vector<1x1x16xf32> to vector<16xf32>
        %parallel_loop3A_536 = arith.addf %parallel_loop3A_535, %parallel_loop3A_392 : vector<16xf32>
        %parallel_loop3A_537 = arith.index_cast %rem3A_199 : i32 to index
        %parallel_loop3A_538 = arith.index_cast %parallel_loop3A_494 : i32 to index
        %parallel_loop3A_539 = arith.constant 48 : index
        %parallel_loop3A_540 = tpu.vector_load %arg7[%parallel_loop3A_537, %parallel_loop3A_538, %parallel_loop3A_539] {strides = array<i32>} : memref<2x800x64xf32, #tpu.memory_space<vmem>>, vector<1x1x16xf32>,
        %parallel_loop3A_541 = vector.shape_cast %parallel_loop3A_540 : vector<1x1x16xf32> to vector<16xf32>
        %parallel_loop3A_542 = vector.shape_cast %parallel_loop3A_536 : vector<16xf32> to vector<1x1x16xf32>
        tpu.vector_store %arg7[%parallel_loop3A_537, %parallel_loop3A_538, %parallel_loop3A_539], %parallel_loop3A_542 {strides = array<i32>} : memref<2x800x64xf32, #tpu.memory_space<vmem>>, vector<1x1x16xf32>,
        %parallel_loop3A_543 = arith.constant 600 : i32
        %parallel_loop3A_544 = arith.addi %parallel_loop3A_543, %parallel_loop3A_376 : i32
        %parallel_loop3A_545 = arith.index_cast %rem3A_199 : i32 to index
        %parallel_loop3A_546 = arith.index_cast %parallel_loop3A_544 : i32 to index
        %parallel_loop3A_547 = arith.constant 0 : index
        %parallel_loop3A_548 = tpu.vector_load %arg7[%parallel_loop3A_545, %parallel_loop3A_546, %parallel_loop3A_547] {strides = array<i32>} : memref<2x800x64xf32, #tpu.memory_space<vmem>>, vector<1x1x16xf32>,
        %parallel_loop3A_549 = vector.shape_cast %parallel_loop3A_548 : vector<1x1x16xf32> to vector<16xf32>
        %parallel_loop3A_550 = arith.addf %parallel_loop3A_549, %parallel_loop3A_380 : vector<16xf32>
        %parallel_loop3A_551 = arith.index_cast %rem3A_199 : i32 to index
        %parallel_loop3A_552 = arith.index_cast %parallel_loop3A_544 : i32 to index
        %parallel_loop3A_553 = arith.constant 0 : index
        %parallel_loop3A_554 = tpu.vector_load %arg7[%parallel_loop3A_551, %parallel_loop3A_552, %parallel_loop3A_553] {strides = array<i32>} : memref<2x800x64xf32, #tpu.memory_space<vmem>>, vector<1x1x16xf32>,
        %parallel_loop3A_555 = vector.shape_cast %parallel_loop3A_554 : vector<1x1x16xf32> to vector<16xf32>
        %parallel_loop3A_556 = vector.shape_cast %parallel_loop3A_550 : vector<16xf32> to vector<1x1x16xf32>
        tpu.vector_store %arg7[%parallel_loop3A_551, %parallel_loop3A_552, %parallel_loop3A_553], %parallel_loop3A_556 {strides = array<i32>} : memref<2x800x64xf32, #tpu.memory_space<vmem>>, vector<1x1x16xf32>,
        %parallel_loop3A_557 = arith.index_cast %rem3A_199 : i32 to index
        %parallel_loop3A_558 = arith.index_cast %parallel_loop3A_544 : i32 to index
        %parallel_loop3A_559 = arith.constant 16 : index
        %parallel_loop3A_560 = tpu.vector_load %arg7[%parallel_loop3A_557, %parallel_loop3A_558, %parallel_loop3A_559] {strides = array<i32>} : memref<2x800x64xf32, #tpu.memory_space<vmem>>, vector<1x1x16xf32>,
        %parallel_loop3A_561 = vector.shape_cast %parallel_loop3A_560 : vector<1x1x16xf32> to vector<16xf32>
        %parallel_loop3A_562 = arith.addf %parallel_loop3A_561, %parallel_loop3A_384 : vector<16xf32>
        %parallel_loop3A_563 = arith.index_cast %rem3A_199 : i32 to index
        %parallel_loop3A_564 = arith.index_cast %parallel_loop3A_544 : i32 to index
        %parallel_loop3A_565 = arith.constant 16 : index
        %parallel_loop3A_566 = tpu.vector_load %arg7[%parallel_loop3A_563, %parallel_loop3A_564, %parallel_loop3A_565] {strides = array<i32>} : memref<2x800x64xf32, #tpu.memory_space<vmem>>, vector<1x1x16xf32>,
        %parallel_loop3A_567 = vector.shape_cast %parallel_loop3A_566 : vector<1x1x16xf32> to vector<16xf32>
        %parallel_loop3A_568 = vector.shape_cast %parallel_loop3A_562 : vector<16xf32> to vector<1x1x16xf32>
        tpu.vector_store %arg7[%parallel_loop3A_563, %parallel_loop3A_564, %parallel_loop3A_565], %parallel_loop3A_568 {strides = array<i32>} : memref<2x800x64xf32, #tpu.memory_space<vmem>>, vector<1x1x16xf32>,
        %parallel_loop3A_569 = arith.index_cast %rem3A_199 : i32 to index
        %parallel_loop3A_570 = arith.index_cast %parallel_loop3A_544 : i32 to index
        %parallel_loop3A_571 = arith.constant 32 : index
        %parallel_loop3A_572 = tpu.vector_load %arg7[%parallel_loop3A_569, %parallel_loop3A_570, %parallel_loop3A_571] {strides = array<i32>} : memref<2x800x64xf32, #tpu.memory_space<vmem>>, vector<1x1x16xf32>,
        %parallel_loop3A_573 = vector.shape_cast %parallel_loop3A_572 : vector<1x1x16xf32> to vector<16xf32>
        %parallel_loop3A_574 = arith.addf %parallel_loop3A_573, %parallel_loop3A_388 : vector<16xf32>
        %parallel_loop3A_575 = arith.index_cast %rem3A_199 : i32 to index
        %parallel_loop3A_576 = arith.index_cast %parallel_loop3A_544 : i32 to index
        %parallel_loop3A_577 = arith.constant 32 : index
        %parallel_loop3A_578 = tpu.vector_load %arg7[%parallel_loop3A_575, %parallel_loop3A_576, %parallel_loop3A_577] {strides = array<i32>} : memref<2x800x64xf32, #tpu.memory_space<vmem>>, vector<1x1x16xf32>,
        %parallel_loop3A_579 = vector.shape_cast %parallel_loop3A_578 : vector<1x1x16xf32> to vector<16xf32>
        %parallel_loop3A_580 = vector.shape_cast %parallel_loop3A_574 : vector<16xf32> to vector<1x1x16xf32>
        tpu.vector_store %arg7[%parallel_loop3A_575, %parallel_loop3A_576, %parallel_loop3A_577], %parallel_loop3A_580 {strides = array<i32>} : memref<2x800x64xf32, #tpu.memory_space<vmem>>, vector<1x1x16xf32>,
        %parallel_loop3A_581 = arith.index_cast %rem3A_199 : i32 to index
        %parallel_loop3A_582 = arith.index_cast %parallel_loop3A_544 : i32 to index
        %parallel_loop3A_583 = arith.constant 48 : index
        %parallel_loop3A_584 = tpu.vector_load %arg7[%parallel_loop3A_581, %parallel_loop3A_582, %parallel_loop3A_583] {strides = array<i32>} : memref<2x800x64xf32, #tpu.memory_space<vmem>>, vector<1x1x16xf32>,
        %parallel_loop3A_585 = vector.shape_cast %parallel_loop3A_584 : vector<1x1x16xf32> to vector<16xf32>
        %parallel_loop3A_586 = arith.addf %parallel_loop3A_585, %parallel_loop3A_392 : vector<16xf32>
        %parallel_loop3A_587 = arith.index_cast %rem3A_199 : i32 to index
        %parallel_loop3A_588 = arith.index_cast %parallel_loop3A_544 : i32 to index
        %parallel_loop3A_589 = arith.constant 48 : index
        %parallel_loop3A_590 = tpu.vector_load %arg7[%parallel_loop3A_587, %parallel_loop3A_588, %parallel_loop3A_589] {strides = array<i32>} : memref<2x800x64xf32, #tpu.memory_space<vmem>>, vector<1x1x16xf32>,
        %parallel_loop3A_591 = vector.shape_cast %parallel_loop3A_590 : vector<1x1x16xf32> to vector<16xf32>
        %parallel_loop3A_592 = vector.shape_cast %parallel_loop3A_586 : vector<16xf32> to vector<1x1x16xf32>
        tpu.vector_store %arg7[%parallel_loop3A_587, %parallel_loop3A_588, %parallel_loop3A_589], %parallel_loop3A_592 {strides = array<i32>} : memref<2x800x64xf32, #tpu.memory_space<vmem>>, vector<1x1x16xf32>,
      } {sc.loop_unroll_factor = 2 : i64, sc.parallel_access}
      %mul3A_361 = arith.constant 800 : i32
      %mul3A_362 = arith.muli %scan3A_198, %mul3A_361 : i32
      %add3A_363 = arith.addi %mul3A_4, %mul3A_362 : i32
      %dma_start3A_364 = arith.constant 0 : i32
      %dma_start3A_365 = arith.constant 0 : i32
      %dma_start3A_366 = tpu.memref_slice %arg7[%rem3A_199, %dma_start3A_364, %dma_start3A_365] : memref<2x800x64xf32, #tpu.memory_space<vmem>> -> memref<1x800x64xf32, #tpu.memory_space<vmem>>
      %dma_start3A_367 = tpu.memref_squeeze %dma_start3A_366 : memref<1x800x64xf32, #tpu.memory_space<vmem>> -> memref<800x64xf32, #tpu.memory_space<vmem>>
      %dma_start3A_368 = arith.constant 0 : i32
      %dma_start3A_369 = tpu.memref_slice %arg5[%add3A_363, %dma_start3A_368] : memref<819200x64xf32, #tpu.memory_space<hbm>> -> memref<800x64xf32, #tpu.memory_space<hbm>>
      %dma_start3A_370 = arith.constant 0 : i32
      %dma_start3A_371 = tpu.memref_slice %arg5[%add3A_363, %dma_start3A_370] : memref<819200x64xf32, #tpu.memory_space<hbm>> -> memref<800x64xf32, #tpu.memory_space<hbm>>
      %dma_start3A_372 = arith.constant 0 : i32
      %dma_start3A_373 = arith.constant 0 : i32
      %dma_start3A_374 = tpu.memref_slice %arg7[%rem3A_199, %dma_start3A_372, %dma_start3A_373] : memref<2x800x64xf32, #tpu.memory_space<vmem>> -> memref<1x800x64xf32, #tpu.memory_space<vmem>>
      %dma_start3A_375 = tpu.memref_squeeze %dma_start3A_374 : memref<1x800x64xf32, #tpu.memory_space<vmem>> -> memref<800x64xf32, #tpu.memory_space<vmem>>
      tpu.enqueue_dma source(%dma_start3A_375 : memref<800x64xf32, #tpu.memory_space<vmem>>) target(%dma_start3A_371 : memref<800x64xf32, #tpu.memory_space<hbm>>) target_semaphore(%arg11 : memref<!tpu.dma_semaphore, #tpu.memory_space<semaphore_mem>>)
    }
    %scan3A_168 = arith.constant 32 : i32
    %add3A_169 = arith.constant 24000 : i32
    %add3A_170 = arith.addi %mul3A_4, %add3A_169 : i32
    %dma_wait3A = arith.constant 0 : i32
    %dma_wait3A_171 = arith.constant 0 : i32
    %dma_wait3A_172 = arith.constant 0 : i32
    %dma_wait3A_173 = tpu.memref_slice %arg7[%dma_wait3A, %dma_wait3A_171, %dma_wait3A_172] : memref<2x800x64xf32, #tpu.memory_space<vmem>> -> memref<1x800x64xf32, #tpu.memory_space<vmem>>
    %dma_wait3A_174 = tpu.memref_squeeze %dma_wait3A_173 : memref<1x800x64xf32, #tpu.memory_space<vmem>> -> memref<800x64xf32, #tpu.memory_space<vmem>>
    %dma_wait3A_175 = arith.constant 0 : i32
    %dma_wait3A_176 = tpu.memref_slice %arg5[%add3A_170, %dma_wait3A_175] : memref<819200x64xf32, #tpu.memory_space<hbm>> -> memref<800x64xf32, #tpu.memory_space<hbm>>
    %dma_wait3A_177 = arith.constant 0 : i32
    %dma_wait3A_178 = tpu.memref_slice %arg5[%add3A_170, %dma_wait3A_177] : memref<819200x64xf32, #tpu.memory_space<hbm>> -> memref<800x64xf32, #tpu.memory_space<hbm>>
    %dma_wait3A_179 = arith.constant 0 : i32
    %dma_wait3A_180 = arith.constant 0 : i32
    %dma_wait3A_181 = tpu.memref_slice %arg7[%dma_wait3A, %dma_wait3A_179, %dma_wait3A_180] : memref<2x800x64xf32, #tpu.memory_space<vmem>> -> memref<1x800x64xf32, #tpu.memory_space<vmem>>
    %dma_wait3A_182 = tpu.memref_squeeze %dma_wait3A_181 : memref<1x800x64xf32, #tpu.memory_space<vmem>> -> memref<800x64xf32, #tpu.memory_space<vmem>>
    tpu.wait_dma2 semaphore(%arg11 : memref<!tpu.dma_semaphore, #tpu.memory_space<semaphore_mem>>) src(%dma_wait3A_182 : memref<800x64xf32, #tpu.memory_space<vmem>>) dst(%dma_wait3A_178 : memref<800x64xf32, #tpu.memory_space<hbm>>)
    %add3A_183 = arith.constant 24800 : i32
    %add3A_184 = arith.addi %mul3A_4, %add3A_183 : i32
    %dma_wait3A_185 = arith.constant 1 : i32
    %dma_wait3A_186 = arith.constant 0 : i32
    %dma_wait3A_187 = arith.constant 0 : i32
    %dma_wait3A_188 = tpu.memref_slice %arg7[%dma_wait3A_185, %dma_wait3A_186, %dma_wait3A_187] : memref<2x800x64xf32, #tpu.memory_space<vmem>> -> memref<1x800x64xf32, #tpu.memory_space<vmem>>
    %dma_wait3A_189 = tpu.memref_squeeze %dma_wait3A_188 : memref<1x800x64xf32, #tpu.memory_space<vmem>> -> memref<800x64xf32, #tpu.memory_space<vmem>>
    %dma_wait3A_190 = arith.constant 0 : i32
    %dma_wait3A_191 = tpu.memref_slice %arg5[%add3A_184, %dma_wait3A_190] : memref<819200x64xf32, #tpu.memory_space<hbm>> -> memref<800x64xf32, #tpu.memory_space<hbm>>
    %dma_wait3A_192 = arith.constant 0 : i32
    %dma_wait3A_193 = tpu.memref_slice %arg5[%add3A_184, %dma_wait3A_192] : memref<819200x64xf32, #tpu.memory_space<hbm>> -> memref<800x64xf32, #tpu.memory_space<hbm>>
    %dma_wait3A_194 = arith.constant 0 : i32
    %dma_wait3A_195 = arith.constant 0 : i32
    %dma_wait3A_196 = tpu.memref_slice %arg7[%dma_wait3A_185, %dma_wait3A_194, %dma_wait3A_195] : memref<2x800x64xf32, #tpu.memory_space<vmem>> -> memref<1x800x64xf32, #tpu.memory_space<vmem>>
    %dma_wait3A_197 = tpu.memref_squeeze %dma_wait3A_196 : memref<1x800x64xf32, #tpu.memory_space<vmem>> -> memref<800x64xf32, #tpu.memory_space<vmem>>
    tpu.wait_dma2 semaphore(%arg11 : memref<!tpu.dma_semaphore, #tpu.memory_space<semaphore_mem>>) src(%dma_wait3A_197 : memref<800x64xf32, #tpu.memory_space<vmem>>) dst(%dma_wait3A_193 : memref<800x64xf32, #tpu.memory_space<hbm>>)
    return
  }
}

</mosaic_0001>

<sc_bundles>
// kernel: kernel.3.cloned.1.call-start
scs
__scs_entry_jumppad:
0x0: {  	(pc) =	sbr.rel $0x88, $3  }
0x1: {  	(tag) =	ssettag $0x0;
	lr =	simm.s32 $0x1  }
0x2: {  	[smem:$0x3F9E] =	sst lr;
	_ =	strace $0xD0000000  }
0x3: {  	_ = 	snop  }
0x4: {  	_ = 	snop  }
0x5: {  	_ = 	snop  }
0x6: {  	_ = 	snop  }
0x7: {  	_ = 	snop  }
__scs_overlays_trampoline_lowered:
0x8: {  	[smem:$0x3FAD] =	sst s0  }
0x9: {  	[smem:$0x3FAE] =	sst s1  }
0xa: {  	[smem:$0x3FAF] =	sst s2  }
0xb: {  	[smem:$0x3FB0] =	sst s3  }
0xc: {  	[smem:$0x3FB1] =	sst s4  }
0xd: {  	[smem:$0x3FB2] =	sst s5  }
0xe: {  	[smem:$0x3FB3] =	sst s6  }
0xf: {  	[smem:$0x3FB4] =	sst s7  }
0x10: {  	[smem:$0x3FB5] =	sst s8  }
0x11: {  	[smem:$0x3FB6] =	sst s9;
	s0 =	simm.s32 @!p0 $0x0  }
0x12: {  	s1 =	sld [smem:$0x3F9C];
	s0 =	simm.s32 @p0 $0x1  }
0x13: {  	[smem:$0x3FB7] =	sst s0;
	s0 =	simm.s32 @!p1 $0x0  }
0x14: {  	s2 =	sld [smem:$0x3F9B];
	s0 =	simm.s32 @p1 $0x1  }
0x15: {  	[smem:$0x3FB8] =	sst s0;
	s0 =	simm.s32 @!p2 $0x0  }
0x16: {  	s3 =	sld [smem:$0x3FDB];
	s0 =	simm.s32 @p2 $0x1  }
0x17: {  	s4 =	simm.s32 $0x1BF5;
	[smem:$0x3FBA] =	sst s0  }
0x18: {  	s0 =	sld [smem:$0x3F9D];
	_ =	swait.ge [sflag:s4], $0x0  }
0x19: {  	s7 =	sld [smem:$0x3F9E]  }
0x1a: {  	s8 =	sadd.s32 $0xFFFFE003, lr  }
0x1b: {  	s9 =	sadd.s32 $0xFFFFFEF7, lr;
	s5 =	simm.s32 $0xFFFFFFFF;
	p2 =	slt.u32 s8, $0xFFFFF086  }
0x1c: {  	p1 =	slt.u32 s9, $0xF7A;
	s5 =	simm.s32 @!p2 $0x0  }
0x1d: {  	s5 =	simm.s32 @p1 $0x1;
	p0 =	seq.s32 s7, s2  }
0x1e: {  	s7 =	smul.u32 @!p0 $0xF7A, s2;
	p2 =	seq.s32 @!p0 s5, $0x0  }
0x1f: {  	s9 =	smul.u32 $0xF7A, s1;
	s8 =	simm.s32 @!p0 $0x1BF5;
	p2 =	por !p2, p0  }
0x20: {  	[sflag:s8] =	ssyncset.s32 @!p0 $0xFFFFF086;
	s6 =	sadd.s32 @!p0 s3, s7;
	s7 =	simm.s32 @!p0 $0x108  }
0x21: {  	s3 =	sadd.s32 s3, s9;
	s6 =	sadd.s32 @!p0 $0x88, s6;
	s7 =	simm.s32 @p2 $0x1082  }
0x22: {  	[simem:s7], [sflag:s8] =	dma.local @!p0 [hbm:s6], $0xF7A  }
0x23: {  	s9 =	sor.u32 $0xD0000000, s2;
	s6 =	simm.s32 $0x108;
	_ =	swait.ge @!p0 [sflag:s8], $0x0  }
0x24: {  	s3 =	sadd.s32 $0x88, s3;
	s6 =	simm.s32 @!p1 $0x1082;
	[sflag:s4] =	ssyncset.s32 $0xFFFFF086  }
0x25: {  	[simem:s6], [sflag:s4] =	dma.local [hbm:s3], $0xF7A  }
0x26: {  	[smem:$0x3F9E] =	sst s1;
	(tag) =	ssettag s2;
	_ =	strace s9  }
0x27: {  	s1 =	sld [smem:$0x3FAE]  }
0x28: {  	s2 =	sld [smem:$0x3FAF]  }
0x29: {  	s4 =	sld [smem:$0x3FB1]  }
0x2a: {  	p0 =	seq.s32 s5, $0x0;
	s5 =	sld [smem:$0x3FB2]  }
0x2b: {  	s6 =	sld [smem:$0x3FB3]  }
0x2c: {  	s7 =	sld [smem:$0x3FB4]  }
0x2d: {  	s3 =	simm.s32 $0x108;
	s8 =	sld [smem:$0x3FB5]  }
0x2e: {  	s3 =	simm.s32 @!p0 $0x1082;
	s9 =	sld [smem:$0x3FB6]  }
0x2f: {  	lr =	sadd.s32 s0, s3;
	s0 =	sld [smem:$0x3FAD]  }
0x30: {  	s3 =	sld [smem:$0x3FB0]  }
0x31: {  	[smem:$0x3FB9] =	sst s10  }
0x32: {  	s10 =	sld [smem:$0x3FB7];
	_ =	sdelay $0x3  }
0x33: {  	p0 =	seq.s32 s10, $0x1;
	s10 =	sld [smem:$0x3FB9];
	_ =	sdelay $0x3  }
0x34: {  	[smem:$0x3FB9] =	sst s10  }
0x35: {  	s10 =	sld [smem:$0x3FB8];
	_ =	sdelay $0x3  }
0x36: {  	p1 =	seq.s32 s10, $0x1;
	s10 =	sld [smem:$0x3FB9];
	_ =	sdelay $0x3  }
0x37: {  	[smem:$0x3FB9] =	sst s10  }
0x38: {  	s10 =	sld [smem:$0x3FBA]  }
0x39: {  	_ = 	snop;
	(pc) =	sbr.ind lr, $3  }
0x3a: {  	_ = 	snop  }
0x3b: {  	_ = 	snop  }
0x3c: {  	p2 =	seq.s32 s10, $0x1;
	s10 =	sld [smem:$0x3FB9]  }
0x3d: {  	_ =	shalt  }
0x3e: {  	_ =	shalt  }
0x3f: {  	_ =	shalt  }
0x40: {  	_ =	shalt  }
0x41: {  	_ =	shalt  }
0x42: {  	_ =	shalt  }
0x43: {  	_ =	shalt  }
0x44: {  	_ =	shalt  }
0x45: {  	_ =	shalt  }
0x46: {  	_ =	shalt  }
0x47: {  	_ =	shalt  }
0x48: {  	_ =	shalt  }
0x49: {  	_ =	shalt  }
0x4a: {  	_ =	shalt  }
0x4b: {  	_ =	shalt  }
0x4c: {  	_ =	shalt  }
0x4d: {  	_ =	shalt  }
0x4e: {  	_ =	shalt  }
0x4f: {  	_ =	shalt  }
0x50: {  	_ =	shalt  }
0x51: {  	_ =	shalt  }
0x52: {  	_ =	shalt  }
0x53: {  	_ =	shalt  }
0x54: {  	_ =	shalt  }
0x55: {  	_ =	shalt  }
0x56: {  	_ =	shalt  }
0x57: {  	_ =	shalt  }
0x58: {  	_ =	shalt  }
0x59: {  	_ =	shalt  }
0x5a: {  	_ =	shalt  }
0x5b: {  	_ =	shalt  }
0x5c: {  	_ =	shalt  }
0x5d: {  	_ =	shalt  }
0x5e: {  	_ =	shalt  }
0x5f: {  	_ =	shalt  }
0x60: {  	_ =	shalt  }
0x61: {  	_ =	shalt  }
0x62: {  	_ =	shalt  }
0x63: {  	_ =	shalt  }
0x64: {  	_ =	shalt  }
0x65: {  	_ =	shalt  }
0x66: {  	_ =	shalt  }
0x67: {  	_ =	shalt  }
0x68: {  	_ =	shalt  }
0x69: {  	_ =	shalt  }
0x6a: {  	_ =	shalt  }
0x6b: {  	_ =	shalt  }
0x6c: {  	_ =	shalt  }
0x6d: {  	_ =	shalt  }
0x6e: {  	_ =	shalt  }
0x6f: {  	_ =	shalt  }
0x70: {  	_ =	shalt  }
0x71: {  	_ =	shalt  }
0x72: {  	_ =	shalt  }
0x73: {  	_ =	shalt  }
0x74: {  	_ =	shalt  }
0x75: {  	_ =	shalt  }
0x76: {  	_ =	shalt  }
0x77: {  	_ =	shalt  }
0x78: {  	_ =	shalt  }
0x79: {  	_ =	shalt  }
0x7a: {  	_ =	shalt  }
0x7b: {  	_ =	shalt  }
0x7c: {  	_ =	shalt  }
0x7d: {  	_ =	shalt  }
0x7e: {  	_ =	shalt  }
0x7f: {  	_ =	shalt  }
0x80: {  	_ =	shalt  }
0x81: {  	_ =	shalt  }
0x82: {  	_ =	shalt  }
0x83: {  	_ =	shalt  }
0x84: {  	_ =	shalt  }
0x85: {  	_ =	shalt  }
0x86: {  	_ =	shalt  }
0x87: {  	_ =	shalt  }
.Lfunc_end0:
.L_simem_size_0:
called_computation.1_lowered:
.L_overlay_start_0:
0x88: {  	s2 =	sld [smem:$0x3FD9]  }
0x89: {  	s3 =	sld [smem:$0x3FFE];
	_ =	sdelay $0x1  }
0x8a: {  	s1 =	srdreg.scid  }
0x8b: {  	s0 =	sand.u32 $0x1, s1  }
0x8c: {  	s17 =	sshll.u32 s0, $0xA;
	s2 =	sadd.s32 s3, s2  }
0x8d: {  	s2 =	sadd.s32 s2, s17  }
0x8e: {  	[smem:$0x3FC5] =	sst s2  }
0x8f: {  	_ = 	snop  }
0x90: {  	s2 =	sld [smem:$0x3FD0];
	(tm) =	ssettm $0x1  }
0x91: {  	s18 =	sld [smem:$0x3FFB];
	_ =	sdelay $0x3  }
0x92: {  	_ =	strace s18  }
0x93: {  	s3 =	sld [smem:$0x3FFC];
	_ =	sdelay $0x3  }
0x94: {  	_ =	strace s3  }
0x95: {  	s3 =	sld [smem:$0x3FFD];
	_ =	sdelay $0x3  }
0x96: {  	_ =	strace s3  }
0x97: {  	_ =	strace $0x8FFFFFFF  }
0x98: {  	s19 =	sld [smem:$0x3FDB];
	_ =	sdelay $0x1  }
0x99: {  	s4 =	simm.s32 $_scs_section_size  }
0x9a: {  	s5 =	simm.s32 $_size__tile_overlayer_lowered;
	s6 =	simm.s32 $_tile_overlayer_lowered  }
0x9b: {  	s22 =	simm.s32 $0x1BFF;
	s21 =	sshll.u32 s6, $0x1;
	s3 =	sadd.s32 s4, s19  }
0x9c: {  	s7 =	simm.s32 $0x0;
	s20 =	sshll.u32 s5, $0x1;
	s5 =	sadd.s32 s21, s3  }
0x9d: {  	[timem:s7], [sflag:s22] =	dma.local [hbm:s5], s20  }
0x9e: {  	_ =	swait.ge [sflag:s22], s20  }
0x9f: {  	s4 =	ssub.s32 $0x0, s20;
	[sflag:s22] =	ssyncset.done $0x0  }
0xa0: {  	[sflag:s22] =	ssyncadd.s32 s4;
	_ =	sdelay $0x1  }
0xa1: {  	s23 =	simm.s32 $0x1B8B  }
0xa2: {  	_ =	swait.ge [sflag:s23], $0x1  }
0xa3: {  	[sflag:s23] =	ssyncset.done $0x0  }
0xa4: {  	s25 =	simm.s32 $0x1B8E;
	s24 =	sld [smem:$0x3FFE];
	[sflag:s23] =	ssyncadd.s32 $0xFFFFFFFF  }
0xa5: {  	s26 =	simm.s32 $execute0_lowered;
	[smem:$0x3FD2] =	sst s25  }
0xa6: {  	s5 =	sshll.u32 s26, $0x1;
	_ =	strace $0x80000046;
	[dreg:$0x1] =	wrdreg $0xFFFFFFFF  }
0xa7: {  	s28 =	simm.s32 $_size_execute0_lowered;
	s3 =	sadd.s32 s3, s5;
	[dreg:$0x0] =	wrdreg $0x0  }
0xa8: {  	s5 =	sshll.u32 s28, $0x1;
	[dreg:$0x2] =	wrdreg s3  }
0xa9: {  	[dreg:$0x3] =	wrdreg s5  }
0xaa: {  	[dreg:$0x4] =	wrdreg $0xC0  }
0xab: {  	_ =	task [dreg:s7], $0x5FFFF  }
0xac: {  	[dreg:$0x1] =	wrdreg $0xFFFFFFFF  }
0xad: {  	[dreg:$0x0] =	wrdreg $0x60  }
0xae: {  	[dreg:$0x2] =	wrdreg s24  }
0xaf: {  	[dreg:$0x3] =	wrdreg s2  }
0xb0: {  	[dreg:$0x4] =	wrdreg $0x9  }
0xb1: {  	_ =	task.clear_ibuf [dreg:s7], $0x5FFFF;
	_ =	strace $0x90000046  }
0xb2: {  	s29 =	simm.s32 $0x9;
	_ =	strace $0x80000048  }
0xb3: {  	_ =	swait.ge [sflag:s29], $0x1  }
0xb4: {  	[sflag:s29] =	ssyncadd.s32 $0xFFFFFFFF  }
0xb5: {  	_ =	strace $0x90000048  }
0xb6: {  	_ =	sfence  }
0xb7: {  	s30 =	sld [smem:$0x0];
	_ =	sdelay $0x2  }
0xb8: {  	s31 =	sshll.u32 s1, $0xD;
	s1 =	sshrl.u32 s1, $0x2  }
0xb9: {  	s3 =	sand.u32 $0x4000, s31;
	s1 =	sadd.s32 s1, s30  }
0xba: {  	s0 =	sor.u32 s3, s0;
	s1 =	sshll.u32 s1, $0x11  }
0xbb: {  	s0 =	sor.u32 s1, s0  }
0xbc: {  	s0 =	sadd.s32 $0x8F2B, s0  }
0xbd: {  	[sflag:s0] =	ssyncadd.remote.s32 $0x1  }
0xbe: {  	_ =	sfence.sel $0xFFFF  }
0xbf: {  	[dreg:$0x0] =	wrdreg $0xFFFFFFFF;
	(pc) =	sbr.abs _section_cstart, $3  }
0xc0: {  	[dreg:$0x1] =	wrdreg $0xFFFFFFFF  }
0xc1: {  	_ =	task.clear_ibuf [dreg:s7], $0x2FFFF;
	_ =	strace $0x9FFFFFFF  }
0xc2: {  	(tm) =	ssettm $0x7FFFFFFF  }
0xc3: {  	_ =	shalt  }
tec
execute0_lowered:
.L_overlay_start_1:
0x0: {  	(tag) =	ssettag $0x1  }
0x1: {  	s0 =	rddreg [dreg:$0x0]  }
0x2: {  	s1 =	rddreg [dreg:$0x1]  }
0x3: {  	s3 =	simm.s32 $0x0;
	s2 =	srdreg.scid;
	s4 =	stileid.u32  }
0x4: {  	s12 =	simm.s32 $0x4;
	s13 =	simm.s32 $0x64;
	s23 =	simm.s32 $0x208  }
0x5: {  	s24 =	simm.s32 $0x8380;
	s25 =	simm.s32 $0x270;
	s28 =	simm.s32 $0x2D8  }
0x6: {  	s29 =	simm.s32 $0xB580;
	s30 =	simm.s32 $0x2;
	s31 =	simm.s32 $0x3  }
0x7: {  	[smem:$0x7FF] =	sst s3;
	s2 =	sand.u32 $0x1, s2;
	s5 =	sshll.u32 s4, $0x1  }
0x8: {  	s4 =	sadd.s32 $0xC00, s0;
	s6 =	sadd.s32 $0x1AC00, s0;
	_ =	strace $0x80000047  }
0x9: {  	s7 =	ssub.s32 $0x2, s2;
	s2 =	sor.u32 s2, s5;
	s5 =	sadd.s32 $0xF43000, s0  }
0xa: {  	s0 =	simm.s32 $0x0;
	s8 =	sshrl.u32 s7, $0x1;
	s9 =	smul.u32 $0xD00, s2  }
0xb: {  	s26 =	ssub.s32 s7, s8;
	s7 =	sshll.u32 s2, $0x8;
	s8 =	smul.u32 $0x6400, s2  }
0xc: {  	s9 =	sadd.s32 s4, s9;
	s10 =	smax.u32 s26, $0x1;
	s26 =	simm.s32 $0x9C80  }
.LBB2_1:
0xd: {  	s2 =	simm.s32 $0x19680  }
0xe: {  	[tilespmem:s2], [sflag:$0x4] =	stream.linear.gather [hbm4b:s6+s3], $0x3200, $0x38;
	[tilespmem:$0x1C880] =	vst v63  }
0xf: {  	_ =	swait.ge [sflag:s12], $0x3200  }
0x10: {  	[sflag:s12] =	ssyncset.done $0x0  }
0x11: {  	[sflag:s12] =	ssyncadd.s32 $0xFFFFCE00  }
0x12: {  	[tilespmem:s3], [sflag:$0x4] =	stream.linear.gather [hbm4b:s9+s3], $0x340, $0x38;
	[tilespmem:$0x1C880] =	vst v63  }
0x13: {  	_ =	swait.ge [sflag:s12], $0x340  }
0x14: {  	[sflag:s12] =	ssyncset.done $0x0  }
0x15: {  	s15 =	simm.s32 $0x680;
	[sflag:s12] =	ssyncadd.s32 $0xFFFFFCC0  }
0x16: {  	[tilespmem:s15], [sflag:$0x2] =	stream.indirect.gather [hbm4b:s5+s13], $0x40, s3, s13, $0xb8;
	[tilespmem:$0x1C880] =	vst v63  }
0x17: {  	s16 =	simm.s32 $0x68;
	s11 =	simm.s32 $0x1F80  }
0x18: {  	[tilespmem:s11], [sflag:$0x2] =	stream.indirect.gather [hbm4b:s5+s13], $0x40, s16, s13, $0xb8;
	[tilespmem:$0x1C880] =	vst v63  }
0x19: {  	s17 =	simm.s32 $0xD0;
	s18 =	simm.s32 $0x3880  }
0x1a: {  	[tilespmem:s18], [sflag:$0x2] =	stream.indirect.gather [hbm4b:s5+s13], $0x40, s17, s13, $0xb8;
	[tilespmem:$0x1C880] =	vst v63  }
0x1b: {  	s19 =	simm.s32 $0x138;
	s20 =	simm.s32 $0x5180  }
0x1c: {  	[tilespmem:s20], [sflag:$0x2] =	stream.indirect.gather [hbm4b:s5+s13], $0x40, s19, s13, $0xb8;
	[tilespmem:$0x1C880] =	vst v63  }
0x1d: {  	s21 =	simm.s32 $0x1A0;
	s22 =	simm.s32 $0x6A80  }
0x1e: {  	[tilespmem:s22], [sflag:$0x2] =	stream.indirect.gather [hbm4b:s5+s13], $0x40, s21, s13, $0xb8;
	[tilespmem:$0x1C880] =	vst v63  }
0x1f: {  	_ = 	snop  }
0x20: {  	[tilespmem:s24], [sflag:$0x2] =	stream.indirect.gather [hbm4b:s5+s13], $0x40, s23, s13, $0xb8;
	[tilespmem:$0x1C880] =	vst v63  }
0x21: {  	_ = 	snop  }
0x22: {  	[tilespmem:s26], [sflag:$0x2] =	stream.indirect.gather [hbm4b:s5+s13], $0x40, s25, s13, $0xb8;
	[tilespmem:$0x1C880] =	vst v63  }
0x23: {  	s2 =	simm.s32 $0x0  }
0x24: {  	[tilespmem:s29], [sflag:$0x2] =	stream.indirect.gather [hbm4b:s5+s13], $0x40, s28, s13, $0xb8;
	[tilespmem:$0x1C880] =	vst v63  }
.LBB2_2:
0x25: {  	s11 =	sadd.s32 $0x1, s2;
	p0 =	seq.s32 s2, $0x1F  }
0x26: {  	s14 =	sand.u32 $0x1, s11;
	s15 =	sshll.u32 @!p0 s11, $0x3  }
0x27: {  	s15 =	sadd.s32 @!p0 s7, s15;
	s16 =	smul.u32 @!p0 $0xD00, s14  }
0x28: {  	s17 =	smul.u32 @!p0 $0xD, s15;
	_ =	sdelay $0x1  }
0x29: {  	s15 =	sshrl.u32 @!p0 s16, $0x2;
	s16 =	sadd.s32 @!p0 s4, s17;
	s17 =	simm.s32 @!p0 $0x0  }
0x2a: {  	[tilespmem:s15], [sflag:$0x1] =	stream.linear.gather @!p0 [hbm4b:s16+s17], $0x340, $0x38;
	[tilespmem:$0x1C880] =	vst v63  }
0x2b: {  	_ =	swait.ge [sflag:s30], $0x1900  }
0x2c: {  	[sflag:s30] =	ssyncset.done $0x0  }
0x2d: {  	[sflag:s30] =	ssyncadd.s32 $0xFFFFE700  }
0x2e: {  	_ =	swait.ge [sflag:s30], $0x1900  }
0x2f: {  	[sflag:s30] =	ssyncset.done $0x0  }
0x30: {  	[sflag:s30] =	ssyncadd.s32 $0xFFFFE700  }
0x31: {  	_ =	swait.ge [sflag:s30], $0x1900  }
0x32: {  	[sflag:s30] =	ssyncset.done $0x0  }
0x33: {  	[sflag:s30] =	ssyncadd.s32 $0xFFFFE700  }
0x34: {  	_ =	swait.ge [sflag:s30], $0x1900  }
0x35: {  	[sflag:s30] =	ssyncset.done $0x0  }
0x36: {  	[sflag:s30] =	ssyncadd.s32 $0xFFFFE700  }
0x37: {  	_ =	swait.ge [sflag:s30], $0x1900  }
0x38: {  	[sflag:s30] =	ssyncset.done $0x0  }
0x39: {  	[sflag:s30] =	ssyncadd.s32 $0xFFFFE700  }
0x3a: {  	_ =	swait.ge [sflag:s30], $0x1900  }
0x3b: {  	[sflag:s30] =	ssyncset.done $0x0  }
0x3c: {  	[sflag:s30] =	ssyncadd.s32 $0xFFFFE700  }
0x3d: {  	_ =	swait.ge [sflag:s30], $0x1900  }
0x3e: {  	[sflag:s30] =	ssyncset.done $0x0  }
0x3f: {  	[sflag:s30] =	ssyncadd.s32 $0xFFFFE700  }
0x40: {  	_ =	swait.ge [sflag:s30], $0x1900  }
0x41: {  	[sflag:s30] =	ssyncset.done $0x0  }
0x42: {  	s16 =	simm.s32 @!p0 $0x1;
	[sflag:s30] =	ssyncadd.s32 $0xFFFFE700  }
0x43: {  	p1 =	seq.s32 @!p0 s2, $0x0;
	_ =	swait.ge @!p0 [sflag:s16], $0x340  }
0x44: {  	p1 =	por p1, p0;
	[sflag:s16] =	ssyncset.done @!p0 $0x0  }
0x45: {  	s14 =	smul.u32 @!p0 $0x32000, s14;
	[sflag:s16] =	ssyncadd.s32 @!p0 $0xFFFFFCC0;
	s16 =	simm.s32 @!p1 $0x3  }
0x46: {  	_ =	swait.ge @!p1 [sflag:s16], $0xC800  }
0x47: {  	s17 =	sshrl.u32 @!p0 s14, $0x2;
	[sflag:s16] =	ssyncset.done @!p1 $0x0  }
0x48: {  	s14 =	sor.u32 @!p0 $0x680, s17;
	[sflag:s16] =	ssyncadd.s32 @!p1 $0xFFFF3800;
	s16 =	simm.s32 @!p0 $0x64  }
0x49: {  	[tilespmem:s14], [sflag:$0x2] =	stream.indirect.gather @!p0 [hbm4b:s5+s16], $0x40, s15, s16, $0xb8;
	[tilespmem:$0x1C880] =	vst v63  }
0x4a: {  	s18 =	sadd.s32 @!p0 $0x68, s15;
	s14 =	sadd.s32 @!p0 $0x1F80, s17  }
0x4b: {  	[tilespmem:s14], [sflag:$0x2] =	stream.indirect.gather @!p0 [hbm4b:s5+s16], $0x40, s18, s16, $0xb8;
	[tilespmem:$0x1C880] =	vst v63  }
0x4c: {  	s14 =	sadd.s32 @!p0 $0x3880, s17;
	s18 =	sadd.s32 @!p0 $0xD0, s15  }
0x4d: {  	[tilespmem:s14], [sflag:$0x2] =	stream.indirect.gather @!p0 [hbm4b:s5+s16], $0x40, s18, s16, $0xb8;
	[tilespmem:$0x1C880] =	vst v63  }
0x4e: {  	s22 =	sand.u32 $0x1, s2;
	s19 =	sadd.s32 @!p0 $0x138, s15;
	s18 =	sadd.s32 @!p0 $0x5180, s17  }
0x4f: {  	[tilespmem:s18], [sflag:$0x2] =	stream.indirect.gather @!p0 [hbm4b:s5+s16], $0x40, s19, s16, $0xb8;
	[tilespmem:$0x1C880] =	vst v63  }
0x50: {  	p1 =	seq.s32 s22, $0x1;
	s14 =	sadd.s32 @!p0 $0x6A80, s17;
	s18 =	sadd.s32 @!p0 $0x1A0, s15  }
0x51: {  	[tilespmem:s14], [sflag:$0x2] =	stream.indirect.gather @!p0 [hbm4b:s5+s16], $0x40, s18, s16, $0xb8;
	[tilespmem:$0x1C880] =	vst v63  }
0x52: {  	s19 =	sadd.s32 @!p0 $0x208, s15;
	s14 =	simm.s32 $0xCE80;
	s18 =	sadd.s32 @!p0 $0x8380, s17  }
0x53: {  	[tilespmem:s18], [sflag:$0x2] =	stream.indirect.gather @!p0 [hbm4b:s5+s16], $0x40, s19, s16, $0xb8;
	[tilespmem:$0x1C880] =	vst v63  }
0x54: {  	s14 =	simm.s32 @!p1 $0x680;
	s18 =	sadd.s32 @!p0 $0x9C80, s17;
	s19 =	sadd.s32 @!p0 $0x270, s15  }
0x55: {  	v0 =	vmov s14;
	[tilespmem:s18], [sflag:$0x2] =	stream.indirect.gather @!p0 [hbm4b:s5+s16], $0x40, s19, s16, $0xb8;
	[tilespmem:$0x1C880] =	vst v63  }
0x56: {  	s17 =	sadd.s32 @!p0 $0xB580, s17;
	s15 =	sadd.s32 @!p0 $0x2D8, s15  }
0x57: {  	[tilespmem:s17], [sflag:$0x2] =	stream.indirect.gather @!p0 [hbm4b:s5+s16], $0x40, s15, s16, $0xb8;
	[tilespmem:$0x1C880] =	vst v63  }
0x58: {  	s15 =	simm.s32 $0x0  }
0x59: {  	v14 =	vld [tilespmem:s15+$0x196C0]  }
0x5a: {  	v1 =	vld.idx.msk [tilespmem:v0+s15+$0x40 ss:$0x1], $0xffff;
	_ =	sdelay $0x4  }
0x5b: {  	v13 =	vld [tilespmem:s15+$0x196D0];
	v1 =	vadd.f32 v1, v14  }
0x5c: {  	v24 =	vld [tilespmem:s15+$0x196E0]  }
0x5d: {  	v22 =	vld [tilespmem:s15+$0x196F0];
	[tilespmem:v0+s15+$0x40 ss:$0x1] =	vst.idx.msk $0xffff, v1  }
0x5e: {  	v1 =	vld.idx.msk [tilespmem:v0+s15+$0x50 ss:$0x1], $0xffff;
	_ =	sdelay $0x4  }
0x5f: {  	v1 =	vadd.f32 v1, v13;
	_ =	sdelay $0x1  }
0x60: {  	[tilespmem:v0+s15+$0x50 ss:$0x1] =	vst.idx.msk $0xffff, v1  }
0x61: {  	v1 =	vld.idx.msk [tilespmem:v0+s15+$0x60 ss:$0x1], $0xffff;
	_ =	sdelay $0x1  }
0x62: {  	v2 =	vld.idx.msk [tilespmem:v0+s15+$0x0 ss:$0x1], $0xffff  }
0x63: {  	v31 =	vld [tilespmem:s15+$0x19680];
	_ =	sdelay $0x1  }
0x64: {  	v1 =	vadd.f32 v1, v24;
	_ =	sdelay $0x1  }
0x65: {  	v29 =	vld [tilespmem:s15+$0x19690];
	[tilespmem:v0+s15+$0x60 ss:$0x1] =	vst.idx.msk $0xffff, v1  }
0x66: {  	v4 =	vadd.f32 v2, v31;
	v3 =	vld.idx.msk [tilespmem:v0+s15+$0x70 ss:$0x1], $0xffff  }
0x67: {  	v2 =	vld [tilespmem:s15+$0x196A0]  }
0x68: {  	v1 =	vld [tilespmem:s15+$0x196B0];
	[tilespmem:v0+s15+$0x0 ss:$0x1] =	vst.idx.msk $0xffff, v4  }
0x69: {  	v4 =	vld.idx.msk [tilespmem:v0+s15+$0x10 ss:$0x1], $0xffff;
	_ =	sdelay $0x1  }
0x6a: {  	v3 =	vadd.f32 v3, v22;
	_ =	sdelay $0x1  }
0x6b: {  	[tilespmem:v0+s15+$0x70 ss:$0x1] =	vst.idx.msk $0xffff, v3  }
0x6c: {  	s16 =	simm.s32 $0x80;
	v4 =	vadd.f32 v4, v29;
	v3 =	vld.idx.msk [tilespmem:v0+s15+$0x3240 ss:$0x1], $0xffff  }
0x6d: {  	v23 =	vld [tilespmem:s16+$0x196C0]  }
0x6e: {  	[tilespmem:v0+s15+$0x10 ss:$0x1] =	vst.idx.msk $0xffff, v4;
	v4 =	vld.idx.msk [tilespmem:v0+s16+$0x40 ss:$0x1], $0xffff;
	_ =	sdelay $0x1  }
0x6f: {  	v6 =	vld.idx.msk [tilespmem:v0+s16+$0x0 ss:$0x1], $0xffff  }
0x70: {  	v21 =	vld [tilespmem:s16+$0x196D0];
	v3 =	vadd.f32 v3, v14  }
0x71: {  	v27 =	vld [tilespmem:s16+$0x196E0]  }
0x72: {  	v5 =	vld.idx.msk [tilespmem:v0+s15+$0x20 ss:$0x1], $0xffff;
	v4 =	vadd.f32 v4, v23;
	[tilespmem:v0+s15+$0x3240 ss:$0x1] =	vst.idx.msk $0xffff, v3  }
0x73: {  	v3 =	vld.idx.msk [tilespmem:v0+s15+$0x3250 ss:$0x1], $0xffff  }
0x74: {  	v32 =	vld [tilespmem:s16+$0x196F0];
	[tilespmem:v0+s16+$0x40 ss:$0x1] =	vst.idx.msk $0xffff, v4  }
0x75: {  	v7 =	vld.idx.msk [tilespmem:v0+s16+$0x50 ss:$0x1], $0xffff  }
0x76: {  	v30 =	vld [tilespmem:s16+$0x19680]  }
0x77: {  	v5 =	vadd.f32 v5, v2  }
0x78: {  	v4 =	vld [tilespmem:s16+$0x196A0];
	v3 =	vadd.f32 v3, v13  }
0x79: {  	[tilespmem:v0+s15+$0x20 ss:$0x1] =	vst.idx.msk $0xffff, v5;
	v5 =	vld [tilespmem:s16+$0x19690]  }
0x7a: {  	v8 =	vld.idx.msk [tilespmem:v0+s15+$0x30 ss:$0x1], $0xffff;
	v7 =	vadd.f32 v7, v21;
	[tilespmem:v0+s15+$0x3250 ss:$0x1] =	vst.idx.msk $0xffff, v3  }
0x7b: {  	v6 =	vadd.f32 v6, v30;
	v9 =	vld.idx.msk [tilespmem:v0+s15+$0x3260 ss:$0x1], $0xffff  }
0x7c: {  	[tilespmem:v0+s16+$0x50 ss:$0x1] =	vst.idx.msk $0xffff, v7;
	v3 =	vld [tilespmem:s16+$0x196B0]  }
0x7d: {  	[tilespmem:v0+s16+$0x0 ss:$0x1] =	vst.idx.msk $0xffff, v6;
	v7 =	vld.idx.msk [tilespmem:v0+s16+$0x60 ss:$0x1], $0xffff  }
0x7e: {  	v6 =	vld.idx.msk [tilespmem:v0+s16+$0x10 ss:$0x1], $0xffff;
	_ =	sdelay $0x1  }
0x7f: {  	v10 =	vld.idx.msk [tilespmem:v0+s15+$0x3200 ss:$0x1], $0xffff;
	v9 =	vadd.f32 v9, v24  }
0x80: {  	v8 =	vadd.f32 v8, v1  }
0x81: {  	v7 =	vadd.f32 v7, v27;
	[tilespmem:v0+s15+$0x3260 ss:$0x1] =	vst.idx.msk $0xffff, v9  }
0x82: {  	[tilespmem:v0+s15+$0x30 ss:$0x1] =	vst.idx.msk $0xffff, v8;
	v6 =	vadd.f32 v6, v5;
	v8 =	vld.idx.msk [tilespmem:v0+s15+$0x3270 ss:$0x1], $0xffff  }
0x83: {  	[tilespmem:v0+s16+$0x60 ss:$0x1] =	vst.idx.msk $0xffff, v7  }
0x84: {  	v10 =	vadd.f32 v10, v31;
	[tilespmem:v0+s16+$0x10 ss:$0x1] =	vst.idx.msk $0xffff, v6;
	v7 =	vld.idx.msk [tilespmem:v0+s16+$0x70 ss:$0x1], $0xffff  }
0x85: {  	v6 =	vld.idx.msk [tilespmem:v0+s16+$0x20 ss:$0x1], $0xffff  }
0x86: {  	[tilespmem:v0+s15+$0x3200 ss:$0x1] =	vst.idx.msk $0xffff, v10  }
0x87: {  	s17 =	simm.s32 $0x100;
	v9 =	vld.idx.msk [tilespmem:v0+s15+$0x3210 ss:$0x1], $0xffff;
	v8 =	vadd.f32 v8, v22  }
0x88: {  	v33 =	vld [tilespmem:s17+$0x196C0]  }
0x89: {  	v17 =	vld.idx.msk [tilespmem:v0+s17+$0x0 ss:$0x1], $0xffff;
	v7 =	vadd.f32 v7, v32;
	[tilespmem:v0+s15+$0x3270 ss:$0x1] =	vst.idx.msk $0xffff, v8  }
0x8a: {  	v6 =	vadd.f32 v6, v4;
	v8 =	vld.idx.msk [tilespmem:v0+s15+$0x6440 ss:$0x1], $0xffff  }
0x8b: {  	v12 =	vld [tilespmem:s17+$0x19680];
	[tilespmem:v0+s16+$0x70 ss:$0x1] =	vst.idx.msk $0xffff, v7  }
0x8c: {  	v9 =	vadd.f32 v9, v29;
	[tilespmem:v0+s16+$0x20 ss:$0x1] =	vst.idx.msk $0xffff, v6;
	v6 =	vld.idx.msk [tilespmem:v0+s16+$0x3240 ss:$0x1], $0xffff  }
0x8d: {  	v11 =	vld [tilespmem:s17+$0x19690]  }
0x8e: {  	v10 =	vld [tilespmem:s17+$0x196D0];
	[tilespmem:v0+s15+$0x3210 ss:$0x1] =	vst.idx.msk $0xffff, v9  }
0x8f: {  	v9 =	vld.idx.msk [tilespmem:v0+s15+$0x3220 ss:$0x1], $0xffff;
	v7 =	vadd.f32 v8, v14  }
0x90: {  	v8 =	vld.idx.msk [tilespmem:v0+s17+$0x40 ss:$0x1], $0xffff  }
0x91: {  	v15 =	vld.idx.msk [tilespmem:v0+s16+$0x30 ss:$0x1], $0xffff;
	v6 =	vadd.f32 v6, v23;
	[tilespmem:v0+s15+$0x6440 ss:$0x1] =	vst.idx.msk $0xffff, v7  }
0x92: {  	v7 =	vld.idx.msk [tilespmem:v0+s15+$0x6450 ss:$0x1], $0xffff  }
0x93: {  	v16 =	vld.idx.msk [tilespmem:v0+s16+$0x3200 ss:$0x1], $0xffff;
	[tilespmem:v0+s16+$0x3240 ss:$0x1] =	vst.idx.msk $0xffff, v6  }
0x94: {  	v6 =	vadd.f32 v9, v2;
	v18 =	vld.idx.msk [tilespmem:v0+s16+$0x3250 ss:$0x1], $0xffff  }
0x95: {  	v9 =	vld [tilespmem:s17+$0x196E0];
	v8 =	vadd.f32 v8, v33  }
0x96: {  	[tilespmem:v0+s15+$0x3220 ss:$0x1] =	vst.idx.msk $0xffff, v6;
	v6 =	vld [tilespmem:s17+$0x196F0]  }
0x97: {  	v19 =	vld.idx.msk [tilespmem:v0+s15+$0x3230 ss:$0x1], $0xffff;
	[tilespmem:v0+s17+$0x40 ss:$0x1] =	vst.idx.msk $0xffff, v8;
	v7 =	vadd.f32 v7, v13  }
0x98: {  	v20 =	vld.idx.msk [tilespmem:v0+s17+$0x50 ss:$0x1], $0xffff  }
0x99: {  	v18 =	vadd.f32 v18, v21;
	v8 =	vld [tilespmem:s17+$0x196A0];
	[tilespmem:v0+s15+$0x6450 ss:$0x1] =	vst.idx.msk $0xffff, v7  }
0x9a: {  	v17 =	vadd.f32 v17, v12;
	v25 =	vld.idx.msk [tilespmem:v0+s15+$0x6460 ss:$0x1], $0xffff  }
0x9b: {  	v15 =	vadd.f32 v15, v3;
	[tilespmem:v0+s16+$0x3250 ss:$0x1] =	vst.idx.msk $0xffff, v18;
	v7 =	vld [tilespmem:s17+$0x196B0]  }
0x9c: {  	v18 =	vld.idx.msk [tilespmem:v0+s16+$0x3260 ss:$0x1], $0xffff;
	[tilespmem:v0+s17+$0x0 ss:$0x1] =	vst.idx.msk $0xffff, v17  }
0x9d: {  	[tilespmem:v0+s16+$0x30 ss:$0x1] =	vst.idx.msk $0xffff, v15;
	v15 =	vld.idx.msk [tilespmem:v0+s17+$0x10 ss:$0x1], $0xffff;
	v17 =	vadd.f32 v20, v10  }
0x9e: {  	v16 =	vadd.f32 v16, v30  }
0x9f: {  	[tilespmem:v0+s17+$0x50 ss:$0x1] =	vst.idx.msk $0xffff, v17;
	v20 =	vadd.f32 v25, v24  }
0xa0: {  	[tilespmem:v0+s16+$0x3200 ss:$0x1] =	vst.idx.msk $0xffff, v16;
	v16 =	vadd.f32 v19, v1;
	v17 =	vld.idx.msk [tilespmem:v0+s17+$0x60 ss:$0x1], $0xffff  }
0xa1: {  	v18 =	vadd.f32 v18, v27;
	[tilespmem:v0+s15+$0x6460 ss:$0x1] =	vst.idx.msk $0xffff, v20;
	v20 =	vld.idx.msk [tilespmem:v0+s16+$0x3210 ss:$0x1], $0xffff  }
0xa2: {  	[tilespmem:v0+s15+$0x3230 ss:$0x1] =	vst.idx.msk $0xffff, v16;
	v15 =	vadd.f32 v15, v11;
	v19 =	vld.idx.msk [tilespmem:v0+s15+$0x6470 ss:$0x1], $0xffff  }
0xa3: {  	v16 =	vld.idx.msk [tilespmem:v0+s15+$0x6400 ss:$0x1], $0xffff;
	[tilespmem:v0+s16+$0x3260 ss:$0x1] =	vst.idx.msk $0xffff, v18  }
0xa4: {  	v18 =	vld.idx.msk [tilespmem:v0+s16+$0x3270 ss:$0x1], $0xffff;
	[tilespmem:v0+s17+$0x10 ss:$0x1] =	vst.idx.msk $0xffff, v15  }
0xa5: {  	v15 =	vadd.f32 v17, v9;
	v17 =	vld.idx.msk [tilespmem:v0+s17+$0x20 ss:$0x1], $0xffff  }
0xa6: {  	s18 =	simm.s32 $0x180;
	v20 =	vadd.f32 v20, v5  }
0xa7: {  	v35 =	vld.idx.msk [tilespmem:v0+s18+$0x0 ss:$0x1], $0xffff;
	[tilespmem:v0+s17+$0x60 ss:$0x1] =	vst.idx.msk $0xffff, v15;
	v19 =	vadd.f32 v19, v22  }
0xa8: {  	v16 =	vadd.f32 v16, v31;
	v15 =	vld.idx.msk [tilespmem:v0+s17+$0x70 ss:$0x1], $0xffff;
	[tilespmem:v0+s16+$0x3210 ss:$0x1] =	vst.idx.msk $0xffff, v20  }
0xa9: {  	v18 =	vadd.f32 v18, v32;
	[tilespmem:v0+s15+$0x6470 ss:$0x1] =	vst.idx.msk $0xffff, v19;
	v20 =	vld.idx.msk [tilespmem:v0+s16+$0x3220 ss:$0x1], $0xffff  }
0xaa: {  	[tilespmem:v0+s15+$0x6400 ss:$0x1] =	vst.idx.msk $0xffff, v16;
	v16 =	vadd.f32 v17, v8;
	v19 =	vld.idx.msk [tilespmem:v0+s15+$0x9640 ss:$0x1], $0xffff  }
0xab: {  	v25 =	vld.idx.msk [tilespmem:v0+s15+$0x6410 ss:$0x1], $0xffff;
	[tilespmem:v0+s16+$0x3270 ss:$0x1] =	vst.idx.msk $0xffff, v18  }
0xac: {  	v17 =	vld.idx.msk [tilespmem:v0+s16+$0x6440 ss:$0x1], $0xffff;
	[tilespmem:v0+s17+$0x20 ss:$0x1] =	vst.idx.msk $0xffff, v16  }
0xad: {  	v15 =	vadd.f32 v15, v6;
	v16 =	vld.idx.msk [tilespmem:v0+s17+$0x30 ss:$0x1], $0xffff  }
0xae: {  	v26 =	vld.idx.msk [tilespmem:v0+s17+$0x3200 ss:$0x1], $0xffff  }
0xaf: {  	v18 =	vadd.f32 v20, v4;
	[tilespmem:v0+s17+$0x70 ss:$0x1] =	vst.idx.msk $0xffff, v15;
	v20 =	vld [tilespmem:s18+$0x196C0];
	v14 =	vadd.f32 v19, v14  }
0xb0: {  	v15 =	vld.idx.msk [tilespmem:v0+s17+$0x3240 ss:$0x1], $0xffff  }
0xb1: {  	v19 =	vld [tilespmem:s18+$0x19680];
	[tilespmem:v0+s15+$0x9640 ss:$0x1] =	vst.idx.msk $0xffff, v14  }
0xb2: {  	v17 =	vadd.f32 v17, v23;
	v14 =	vld.idx.msk [tilespmem:v0+s15+$0x9650 ss:$0x1], $0xffff  }
0xb3: {  	[tilespmem:v0+s16+$0x3220 ss:$0x1] =	vst.idx.msk $0xffff, v18;
	v18 =	vld.idx.msk [tilespmem:v0+s18+$0x40 ss:$0x1], $0xffff  }
0xb4: {  	[tilespmem:v0+s16+$0x6440 ss:$0x1] =	vst.idx.msk $0xffff, v17;
	v17 =	vld [tilespmem:s18+$0x196D0];
	v16 =	vadd.f32 v16, v7  }
0xb5: {  	v34 =	vld.idx.msk [tilespmem:v0+s16+$0x6450 ss:$0x1], $0xffff;
	v15 =	vadd.f32 v15, v33  }
0xb6: {  	v28 =	vld.idx.msk [tilespmem:v0+s16+$0x3230 ss:$0x1], $0xffff;
	[tilespmem:v0+s17+$0x30 ss:$0x1] =	vst.idx.msk $0xffff, v16  }
0xb7: {  	v16 =	vld [tilespmem:s18+$0x196A0];
	[tilespmem:v0+s17+$0x3240 ss:$0x1] =	vst.idx.msk $0xffff, v15;
	v13 =	vadd.f32 v14, v13  }
0xb8: {  	v18 =	vadd.f32 v18, v20;
	v14 =	vld.idx.msk [tilespmem:v0+s17+$0x3250 ss:$0x1], $0xffff  }
0xb9: {  	v15 =	vld [tilespmem:s18+$0x196E0];
	[tilespmem:v0+s15+$0x9650 ss:$0x1] =	vst.idx.msk $0xffff, v13  }
0xba: {  	v34 =	vadd.f32 v34, v21;
	v13 =	vld [tilespmem:s18+$0x196F0];
	[tilespmem:v0+s18+$0x40 ss:$0x1] =	vst.idx.msk $0xffff, v18  }
0xbb: {  	v37 =	vld.idx.msk [tilespmem:v0+s18+$0x50 ss:$0x1], $0xffff  }
0xbc: {  	v25 =	vadd.f32 v25, v29;
	[tilespmem:v0+s16+$0x6450 ss:$0x1] =	vst.idx.msk $0xffff, v34;
	v36 =	vld.idx.msk [tilespmem:v0+s15+$0x9660 ss:$0x1], $0xffff  }
0xbd: {  	v34 =	vld.idx.msk [tilespmem:v0+s16+$0x6460 ss:$0x1], $0xffff;
	v38 =	vadd.f32 v14, v10  }
0xbe: {  	[tilespmem:v0+s15+$0x6410 ss:$0x1] =	vst.idx.msk $0xffff, v25;
	v35 =	vadd.f32 v35, v19;
	v18 =	vld [tilespmem:s18+$0x19690]  }
0xbf: {  	v26 =	vadd.f32 v26, v12;
	v14 =	vld [tilespmem:s18+$0x196B0];
	[tilespmem:v0+s17+$0x3250 ss:$0x1] =	vst.idx.msk $0xffff, v38  }
0xc0: {  	[tilespmem:v0+s18+$0x0 ss:$0x1] =	vst.idx.msk $0xffff, v35;
	v38 =	vld.idx.msk [tilespmem:v0+s17+$0x3260 ss:$0x1], $0xffff;
	v48 =	vadd.f32 v37, v17  }
0xc1: {  	[tilespmem:v0+s17+$0x3200 ss:$0x1] =	vst.idx.msk $0xffff, v26;
	v26 =	vld.idx.msk [tilespmem:v0+s18+$0x10 ss:$0x1], $0xffff;
	v24 =	vadd.f32 v36, v24  }
0xc2: {  	v49 =	vld.idx.msk [tilespmem:v0+s17+$0x3210 ss:$0x1], $0xffff;
	[tilespmem:v0+s18+$0x50 ss:$0x1] =	vst.idx.msk $0xffff, v48  }
0xc3: {  	v28 =	vadd.f32 v28, v3;
	[tilespmem:v0+s15+$0x9660 ss:$0x1] =	vst.idx.msk $0xffff, v24;
	v24 =	vld.idx.msk [tilespmem:v0+s15+$0x6420 ss:$0x1], $0xffff  }
0xc4: {  	s19 =	simm.s32 $0x200;
	v34 =	vadd.f32 v34, v27;
	v50 =	vld.idx.msk [tilespmem:v0+s18+$0x60 ss:$0x1], $0xffff  }
0xc5: {  	v42 =	vld.idx.msk [tilespmem:v0+s19+$0x0 ss:$0x1], $0xffff;
	[tilespmem:v0+s16+$0x3230 ss:$0x1] =	vst.idx.msk $0xffff, v28;
	v25 =	vadd.f32 v38, v9  }
0xc6: {  	v51 =	vld.idx.msk [tilespmem:v0+s16+$0x6400 ss:$0x1], $0xffff;
	[tilespmem:v0+s16+$0x6460 ss:$0x1] =	vst.idx.msk $0xffff, v34;
	v26 =	vadd.f32 v26, v18  }
0xc7: {  	v28 =	vld.idx.msk [tilespmem:v0+s16+$0x6470 ss:$0x1], $0xffff;
	[tilespmem:v0+s17+$0x3260 ss:$0x1] =	vst.idx.msk $0xffff, v25;
	v25 =	vadd.f32 v49, v11  }
0xc8: {  	v52 =	vld.idx.msk [tilespmem:v0+s15+$0x9670 ss:$0x1], $0xffff;
	[tilespmem:v0+s18+$0x10 ss:$0x1] =	vst.idx.msk $0xffff, v26;
	v24 =	vadd.f32 v24, v2  }
0xc9: {  	v54 =	vld.idx.msk [tilespmem:v0+s18+$0x20 ss:$0x1], $0xffff;
	v26 =	vadd.f32 v50, v15;
	[tilespmem:v0+s17+$0x3210 ss:$0x1] =	vst.idx.msk $0xffff, v25  }
0xca: {  	v53 =	vld.idx.msk [tilespmem:v0+s17+$0x3270 ss:$0x1], $0xffff;
	[tilespmem:v0+s15+$0x6420 ss:$0x1] =	vst.idx.msk $0xffff, v24  }
0xcb: {  	[tilespmem:v0+s18+$0x60 ss:$0x1] =	vst.idx.msk $0xffff, v26;
	v26 =	vld.idx.msk [tilespmem:v0+s17+$0x3220 ss:$0x1], $0xffff  }
0xcc: {  	v25 =	vadd.f32 v28, v32;
	v57 =	vld.idx.msk [tilespmem:v0+s15+$0x6430 ss:$0x1], $0xffff  }
0xcd: {  	v28 =	vadd.f32 v51, v30;
	v55 =	vld.idx.msk [tilespmem:v0+s18+$0x70 ss:$0x1], $0xffff  }
0xce: {  	v58 =	vld.idx.msk [tilespmem:v0+s15+$0x9600 ss:$0x1], $0xffff;
	[tilespmem:v0+s16+$0x6470 ss:$0x1] =	vst.idx.msk $0xffff, v25;
	v24 =	vadd.f32 v54, v16  }
0xcf: {  	[tilespmem:v0+s16+$0x6400 ss:$0x1] =	vst.idx.msk $0xffff, v28;
	v25 =	vld.idx.msk [tilespmem:v0+s16+$0x9640 ss:$0x1], $0xffff  }
0xd0: {  	v56 =	vld.idx.msk [tilespmem:v0+s16+$0x6410 ss:$0x1], $0xffff;
	v28 =	vadd.f32 v53, v6;
	[tilespmem:v0+s18+$0x20 ss:$0x1] =	vst.idx.msk $0xffff, v24  }
0xd1: {  	v59 =	vld.idx.msk [tilespmem:v0+s18+$0x30 ss:$0x1], $0xffff;
	v38 =	vadd.f32 v57, v1  }
0xd2: {  	v39 =	vld.idx.msk [tilespmem:v0+s18+$0x3200 ss:$0x1], $0xffff;
	[tilespmem:v0+s17+$0x3270 ss:$0x1] =	vst.idx.msk $0xffff, v28;
	v24 =	vadd.f32 v55, v13  }
0xd3: {  	v31 =	vadd.f32 v58, v31;
	v28 =	vld.idx.msk [tilespmem:v0+s17+$0x6440 ss:$0x1], $0xffff;
	[tilespmem:v0+s15+$0x6430 ss:$0x1] =	vst.idx.msk $0xffff, v38  }
0xd4: {  	v23 =	vadd.f32 v25, v23;
	v25 =	vadd.f32 v26, v8;
	v26 =	vld [tilespmem:s19+$0x196C0];
	[tilespmem:v0+s18+$0x70 ss:$0x1] =	vst.idx.msk $0xffff, v24  }
0xd5: {  	[tilespmem:v0+s15+$0x9600 ss:$0x1] =	vst.idx.msk $0xffff, v31;
	v24 =	vld.idx.msk [tilespmem:v0+s18+$0x3240 ss:$0x1], $0xffff  }
0xd6: {  	[tilespmem:v0+s16+$0x9640 ss:$0x1] =	vst.idx.msk $0xffff, v23;
	v53 =	vld.idx.msk [tilespmem:v0+s15+$0x9610 ss:$0x1], $0xffff  }
0xd7: {  	v35 =	vadd.f32 v56, v5;
	[tilespmem:v0+s17+$0x3220 ss:$0x1] =	vst.idx.msk $0xffff, v25;
	v23 =	vld.idx.msk [tilespmem:v0+s16+$0x9650 ss:$0x1], $0xffff  }
0xd8: {  	v40 =	vld.idx.msk [tilespmem:v0+s17+$0x3230 ss:$0x1], $0xffff;
	v25 =	vadd.f32 v28, v33  }
0xd9: {  	[tilespmem:v0+s16+$0x6410 ss:$0x1] =	vst.idx.msk $0xffff, v35;
	v28 =	vld.idx.msk [tilespmem:v0+s19+$0x40 ss:$0x1], $0xffff  }
0xda: {  	v31 =	vld.idx.msk [tilespmem:v0+s16+$0x6420 ss:$0x1], $0xffff;
	[tilespmem:v0+s17+$0x6440 ss:$0x1] =	vst.idx.msk $0xffff, v25  }
0xdb: {  	v25 =	vld.idx.msk [tilespmem:v0+s17+$0x6450 ss:$0x1], $0xffff;
	v41 =	vadd.f32 v24, v20  }
0xdc: {  	v24 =	vld [tilespmem:s19+$0x196D0]  }
0xdd: {  	v21 =	vadd.f32 v23, v21;
	v23 =	vld [tilespmem:s19+$0x196E0];
	[tilespmem:v0+s18+$0x3240 ss:$0x1] =	vst.idx.msk $0xffff, v41  }
0xde: {  	v28 =	vadd.f32 v28, v26;
	v41 =	vld.idx.msk [tilespmem:v0+s18+$0x3250 ss:$0x1], $0xffff  }
0xdf: {  	v22 =	vadd.f32 v52, v22;
	[tilespmem:v0+s16+$0x9650 ss:$0x1] =	vst.idx.msk $0xffff, v21;
	v21 =	vld [tilespmem:s19+$0x196F0]  }
0xe0: {  	[tilespmem:v0+s19+$0x40 ss:$0x1] =	vst.idx.msk $0xffff, v28;
	v28 =	vld [tilespmem:s19+$0x19680];
	v25 =	vadd.f32 v25, v10  }
0xe1: {  	[tilespmem:v0+s15+$0x9670 ss:$0x1] =	vst.idx.msk $0xffff, v22;
	v43 =	vld.idx.msk [tilespmem:v0+s16+$0x9660 ss:$0x1], $0xffff  }
0xe2: {  	v22 =	vadd.f32 v59, v14;
	v60 =	vld.idx.msk [tilespmem:v0+s19+$0x50 ss:$0x1], $0xffff;
	[tilespmem:v0+s17+$0x6450 ss:$0x1] =	vst.idx.msk $0xffff, v25  }
0xe3: {  	v61 =	vld.idx.msk [tilespmem:v0+s17+$0x6460 ss:$0x1], $0xffff  }
0xe4: {  	[tilespmem:v0+s18+$0x30 ss:$0x1] =	vst.idx.msk $0xffff, v22;
	v22 =	vld [tilespmem:s19+$0x196B0];
	v62 =	vadd.f32 v41, v17  }
0xe5: {  	v25 =	vld [tilespmem:s19+$0x19690];
	v42 =	vadd.f32 v42, v28  }
0xe6: {  	v40 =	vadd.f32 v40, v7;
	v63 =	vadd.f32 v43, v27;
	v27 =	vld [tilespmem:s19+$0x196A0];
	[tilespmem:v0+s18+$0x3250 ss:$0x1] =	vst.idx.msk $0xffff, v62  }
0xe7: {  	v36 =	vadd.f32 v60, v24;
	v46 =	vld.idx.msk [tilespmem:v0+s18+$0x3260 ss:$0x1], $0xffff;
	[tilespmem:v0+s19+$0x0 ss:$0x1] =	vst.idx.msk $0xffff, v42  }
0xe8: {  	[tilespmem:v0+s17+$0x3230 ss:$0x1] =	vst.idx.msk $0xffff, v40;
	v47 =	vld.idx.msk [tilespmem:v0+s19+$0x10 ss:$0x1], $0xffff;
	v34 =	vadd.f32 v61, v9  }
0xe9: {  	v45 =	vadd.f32 v39, v19;
	v52 =	vld.idx.msk [tilespmem:v0+s17+$0x6400 ss:$0x1], $0xffff;
	[tilespmem:v0+s19+$0x50 ss:$0x1] =	vst.idx.msk $0xffff, v36  }
0xea: {  	v29 =	vadd.f32 v53, v29;
	v49 =	vld.idx.msk [tilespmem:v0+s19+$0x60 ss:$0x1], $0xffff;
	[tilespmem:v0+s17+$0x6460 ss:$0x1] =	vst.idx.msk $0xffff, v34  }
0xeb: {  	[tilespmem:v0+s18+$0x3200 ss:$0x1] =	vst.idx.msk $0xffff, v45;
	v50 =	vld.idx.msk [tilespmem:v0+s17+$0x6470 ss:$0x1], $0xffff  }
0xec: {  	v48 =	vld.idx.msk [tilespmem:v0+s18+$0x3210 ss:$0x1], $0xffff;
	[tilespmem:v0+s15+$0x9610 ss:$0x1] =	vst.idx.msk $0xffff, v29;
	v51 =	vadd.f32 v46, v15  }
0xed: {  	v29 =	vld.idx.msk [tilespmem:v0+s15+$0x9620 ss:$0x1], $0xffff;
	[tilespmem:v0+s16+$0x9660 ss:$0x1] =	vst.idx.msk $0xffff, v63;
	v35 =	vadd.f32 v47, v25  }
0xee: {  	v39 =	vadd.f32 v52, v12;
	v41 =	vld.idx.msk [tilespmem:v0+s16+$0x9670 ss:$0x1], $0xffff;
	[tilespmem:v0+s18+$0x3260 ss:$0x1] =	vst.idx.msk $0xffff, v51  }
0xef: {  	v34 =	vadd.f32 v49, v23;
	[tilespmem:v0+s19+$0x10 ss:$0x1] =	vst.idx.msk $0xffff, v35;
	v54 =	vld.idx.msk [tilespmem:v0+s18+$0x3270 ss:$0x1], $0xffff  }
0xf0: {  	[tilespmem:v0+s17+$0x6400 ss:$0x1] =	vst.idx.msk $0xffff, v39;
	v55 =	vld.idx.msk [tilespmem:v0+s19+$0x20 ss:$0x1], $0xffff;
	v37 =	vadd.f32 v50, v6  }
0xf1: {  	v36 =	vadd.f32 v48, v18;
	v40 =	vld.idx.msk [tilespmem:v0+s17+$0x6410 ss:$0x1], $0xffff;
	[tilespmem:v0+s19+$0x60 ss:$0x1] =	vst.idx.msk $0xffff, v34  }
0xf2: {  	v31 =	vadd.f32 v31, v4;
	v57 =	vld.idx.msk [tilespmem:v0+s19+$0x70 ss:$0x1], $0xffff;
	[tilespmem:v0+s17+$0x6470 ss:$0x1] =	vst.idx.msk $0xffff, v37  }
0xf3: {  	[tilespmem:v0+s18+$0x3210 ss:$0x1] =	vst.idx.msk $0xffff, v36;
	v32 =	vadd.f32 v41, v32;
	v58 =	vld.idx.msk [tilespmem:v0+s17+$0x9640 ss:$0x1], $0xffff  }
0xf4: {  	[tilespmem:v0+s16+$0x6420 ss:$0x1] =	vst.idx.msk $0xffff, v31;
	v56 =	vld.idx.msk [tilespmem:v0+s18+$0x3220 ss:$0x1], $0xffff;
	v35 =	vadd.f32 v54, v13  }
0xf5: {  	v31 =	vld.idx.msk [tilespmem:v0+s16+$0x6430 ss:$0x1], $0xffff;
	[tilespmem:v0+s16+$0x9670 ss:$0x1] =	vst.idx.msk $0xffff, v32;
	v59 =	vadd.f32 v55, v27  }
0xf6: {  	v60 =	vld.idx.msk [tilespmem:v0+s16+$0x9600 ss:$0x1], $0xffff;
	v63 =	vadd.f32 v40, v11;
	[tilespmem:v0+s18+$0x3270 ss:$0x1] =	vst.idx.msk $0xffff, v35  }
0xf7: {  	v62 =	vadd.f32 v57, v21;
	v34 =	vld.idx.msk [tilespmem:v0+s18+$0x6440 ss:$0x1], $0xffff;
	[tilespmem:v0+s19+$0x20 ss:$0x1] =	vst.idx.msk $0xffff, v59  }
0xf8: {  	[tilespmem:v0+s17+$0x6410 ss:$0x1] =	vst.idx.msk $0xffff, v63;
	v35 =	vld.idx.msk [tilespmem:v0+s19+$0x30 ss:$0x1], $0xffff;
	v33 =	vadd.f32 v58, v33  }
0xf9: {  	v61 =	vadd.f32 v56, v16;
	v36 =	vld.idx.msk [tilespmem:v0+s19+$0x3200 ss:$0x1], $0xffff;
	[tilespmem:v0+s19+$0x70 ss:$0x1] =	vst.idx.msk $0xffff, v62  }
0xfa: {  	v31 =	vadd.f32 v31, v3;
	v37 =	vld.idx.msk [tilespmem:v0+s19+$0x3240 ss:$0x1], $0xffff;
	[tilespmem:v0+s17+$0x9640 ss:$0x1] =	vst.idx.msk $0xffff, v33  }
0xfb: {  	s20 =	simm.s32 $0x8;
	s21 =	simm.s32 $0xA00;
	[tilespmem:v0+s18+$0x3220 ss:$0x1] =	vst.idx.msk $0xffff, v61;
	v33 =	vadd.f32 v60, v30;
	v32 =	vld.idx.msk [tilespmem:v0+s17+$0x9650 ss:$0x1], $0xffff  }
.LBB2_3:
0xfc: {  	s22 =	sshra.s32 s21, $0x2;
	v38 =	vld.idx.msk [tilespmem:v0+s18+$0x3230 ss:$0x1], $0xffff;
	v34 =	vadd.f32 v34, v20;
	[tilespmem:v0+s16+$0x6430 ss:$0x1] =	vst.idx.msk $0xffff, v31;
	v30 =	vmov v28  }
0xfd: {  	s20 =	sadd.s32 $0x2, s20;
	v28 =	vadd.f32 v29, v2;
	v2 =	vmovc v4;
	v4 =	vmov v8;
	v8 =	vmov v16;
	v31 =	vld [tilespmem:s22+$0x196C0];
	[tilespmem:v0+s16+$0x9600 ss:$0x1] =	vst.idx.msk $0xffff, v33  }
0xfe: {  	v16 =	vmov v27;
	p0 =	slt.u32 s20, $0xC6;
	v33 =	vadd.f32 v35, v22;
	v29 =	vld.idx.msk [tilespmem:v0+s22+$0x40 ss:$0x1], $0xffff;
	[tilespmem:v0+s18+$0x6440 ss:$0x1] =	vst.idx.msk $0xffff, v34  }
0xff: {  	v27 =	vadd.f32 v36, v30;
	v34 =	vld.idx.msk [tilespmem:v0+s18+$0x6450 ss:$0x1], $0xffff;
	[tilespmem:v0+s15+$0x9620 ss:$0x1] =	vst.idx.msk $0xffff, v28  }
0x100: {  	v35 =	vld.idx.msk [tilespmem:v0+s22+$0x0 ss:$0x1], $0xffff;
	[tilespmem:v0+s19+$0x30 ss:$0x1] =	vst.idx.msk $0xffff, v33;
	v33 =	vadd.f32 v37, v26  }
0x101: {  	v28 =	vld [tilespmem:s22+$0x19680];
	[tilespmem:v0+s19+$0x3200 ss:$0x1] =	vst.idx.msk $0xffff, v27;
	v27 =	vadd.f32 v32, v10;
	v10 =	vmov v17;
	v17 =	vmov v24  }
0x102: {  	v32 =	vadd.f32 v38, v14;
	v24 =	vld [tilespmem:s22+$0x196D0];
	[tilespmem:v0+s19+$0x3240 ss:$0x1] =	vst.idx.msk $0xffff, v33  }
0x103: {  	v33 =	vld.idx.msk [tilespmem:v0+s19+$0x3250 ss:$0x1], $0xffff;
	[tilespmem:v0+s17+$0x9650 ss:$0x1] =	vst.idx.msk $0xffff, v27  }
0x104: {  	v27 =	vadd.f32 v29, v31;
	[tilespmem:v0+s18+$0x3230 ss:$0x1] =	vst.idx.msk $0xffff, v32;
	v29 =	vld.idx.msk [tilespmem:v0+s17+$0x9660 ss:$0x1], $0xffff  }
0x105: {  	v34 =	vadd.f32 v34, v10;
	v32 =	vld [tilespmem:s22+$0x196E0]  }
0x106: {  	v35 =	vadd.f32 v35, v28;
	v36 =	vld [tilespmem:s22+$0x196F0];
	[tilespmem:v0+s22+$0x40 ss:$0x1] =	vst.idx.msk $0xffff, v27  }
0x107: {  	v37 =	vld.idx.msk [tilespmem:v0+s22+$0x50 ss:$0x1], $0xffff;
	[tilespmem:v0+s18+$0x6450 ss:$0x1] =	vst.idx.msk $0xffff, v34  }
0x108: {  	v34 =	vld.idx.msk [tilespmem:v0+s18+$0x6460 ss:$0x1], $0xffff  }
0x109: {  	v33 =	vadd.f32 v33, v17;
	v38 =	vld [tilespmem:s22+$0x19690]  }
0x10a: {  	v29 =	vadd.f32 v29, v9;
	v9 =	vmovc v15;
	v15 =	vmov v23;
	v27 =	vld [tilespmem:s22+$0x196A0];
	v23 =	vmov v32  }
0x10b: {  	v32 =	vld [tilespmem:s22+$0x196B0];
	[tilespmem:v0+s19+$0x3250 ss:$0x1] =	vst.idx.msk $0xffff, v33  }
0x10c: {  	v33 =	vld.idx.msk [tilespmem:v0+s19+$0x3260 ss:$0x1], $0xffff;
	[tilespmem:v0+s17+$0x9660 ss:$0x1] =	vst.idx.msk $0xffff, v29  }
0x10d: {  	v29 =	vadd.f32 v37, v24;
	[tilespmem:v0+s22+$0x0 ss:$0x1] =	vst.idx.msk $0xffff, v35;
	v35 =	vld.idx.msk [tilespmem:v0+s17+$0x9670 ss:$0x1], $0xffff  }
0x10e: {  	v34 =	vadd.f32 v34, v9;
	v37 =	vld.idx.msk [tilespmem:v0+s22+$0x10 ss:$0x1], $0xffff  }
0x10f: {  	[tilespmem:v0+s22+$0x50 ss:$0x1] =	vst.idx.msk $0xffff, v29;
	v29 =	vld.idx.msk [tilespmem:v0+s19+$0x3210 ss:$0x1], $0xffff  }
0x110: {  	v39 =	vld.idx.msk [tilespmem:v0+s22+$0x60 ss:$0x1], $0xffff;
	[tilespmem:v0+s18+$0x6460 ss:$0x1] =	vst.idx.msk $0xffff, v34  }
0x111: {  	v34 =	vld.idx.msk [tilespmem:v0+s18+$0x6470 ss:$0x1], $0xffff  }
0x112: {  	v33 =	vadd.f32 v33, v15;
	v40 =	vld.idx.msk [tilespmem:v0+s18+$0x6400 ss:$0x1], $0xffff  }
0x113: {  	v35 =	vadd.f32 v35, v6;
	v6 =	vmovc v13;
	v13 =	vmov v21;
	v21 =	vmov v36;
	v41 =	vld.idx.msk [tilespmem:v0+s17+$0x6420 ss:$0x1], $0xffff  }
0x114: {  	v36 =	vadd.f32 v37, v38;
	[tilespmem:v0+s19+$0x3260 ss:$0x1] =	vst.idx.msk $0xffff, v33;
	v33 =	vld.idx.msk [tilespmem:v0+s16+$0x9610 ss:$0x1], $0xffff  }
0x115: {  	v29 =	vadd.f32 v29, v25;
	v37 =	vld.idx.msk [tilespmem:v0+s19+$0x3270 ss:$0x1], $0xffff;
	[tilespmem:v0+s17+$0x9670 ss:$0x1] =	vst.idx.msk $0xffff, v35  }
0x116: {  	v35 =	vadd.f32 v39, v23;
	[tilespmem:v0+s22+$0x10 ss:$0x1] =	vst.idx.msk $0xffff, v36;
	v36 =	vld.idx.msk [tilespmem:v0+s15+$0x9630 ss:$0x1], $0xffff  }
0x117: {  	v39 =	vld.idx.msk [tilespmem:v0+s22+$0x20 ss:$0x1], $0xffff;
	[tilespmem:v0+s19+$0x3210 ss:$0x1] =	vst.idx.msk $0xffff, v29;
	v29 =	vadd.f32 v34, v6  }
0x118: {  	[tilespmem:v0+s22+$0x60 ss:$0x1] =	vst.idx.msk $0xffff, v35;
	v34 =	vld.idx.msk [tilespmem:v0+s19+$0x3220 ss:$0x1], $0xffff;
	v35 =	vadd.f32 v40, v19  }
0x119: {  	v40 =	vld.idx.msk [tilespmem:v0+s22+$0x70 ss:$0x1], $0xffff;
	[tilespmem:v0+s18+$0x6470 ss:$0x1] =	vst.idx.msk $0xffff, v29;
	v29 =	vadd.f32 v41, v4  }
0x11a: {  	v33 =	vadd.f32 v33, v5;
	v5 =	vmov v11;
	v11 =	vmov v18;
	[tilespmem:v0+s18+$0x6400 ss:$0x1] =	vst.idx.msk $0xffff, v35;
	v41 =	vld.idx.msk [tilespmem:v0+s18+$0x9640 ss:$0x1], $0xffff  }
0x11b: {  	v18 =	vmov v25;
	v25 =	vmov v38;
	v35 =	vadd.f32 v37, v13;
	v37 =	vld.idx.msk [tilespmem:v0+s18+$0x6410 ss:$0x1], $0xffff;
	[tilespmem:v0+s17+$0x6420 ss:$0x1] =	vst.idx.msk $0xffff, v29  }
0x11c: {  	v29 =	vadd.f32 v36, v1;
	v1 =	vmov v3;
	v3 =	vmov v7;
	v38 =	vld.idx.msk [tilespmem:v0+s17+$0x6430 ss:$0x1], $0xffff;
	[tilespmem:v0+s16+$0x9610 ss:$0x1] =	vst.idx.msk $0xffff, v33  }
0x11d: {  	v7 =	vmov v14;
	v14 =	vmov v22;
	v33 =	vadd.f32 v39, v27;
	[tilespmem:v0+s19+$0x3270 ss:$0x1] =	vst.idx.msk $0xffff, v35;
	v39 =	vld.idx.msk [tilespmem:v0+s17+$0x9600 ss:$0x1], $0xffff  }
0x11e: {  	v22 =	vmov v32;
	v36 =	vadd.f32 v34, v16;
	v34 =	vld.idx.msk [tilespmem:v0+s19+$0x6440 ss:$0x1], $0xffff;
	[tilespmem:v0+s15+$0x9630 ss:$0x1] =	vst.idx.msk $0xffff, v29;
	s15 =	smov.u32 s16;
	s16 =	smov.u32 s17;
	s17 =	smov.u32 s18  }
.Ltmp0:
0x11f: {  	v32 =	vadd.f32 v40, v21;
	s18 =	smov.u32 s19;
	s19 =	smov.u32 s22;
	[tilespmem:v0+s22+$0x20 ss:$0x1] =	vst.idx.msk $0xffff, v33;
	v29 =	vld.idx.msk [tilespmem:v0+s15+$0x9620 ss:$0x1], $0xffff;
	(pc) =	sbr.rel @p0 .LBB2_3-.Ltmp0, $4  }
0x120: {  	v33 =	vadd.f32 v41, v20;
	v20 =	vmov v26;
	v26 =	vmov v31;
	v35 =	vld.idx.msk [tilespmem:v0+s19+$0x30 ss:$0x1], $0xffff;
	[tilespmem:v0+s18+$0x3220 ss:$0x1] =	vst.idx.msk $0xffff, v36  }
0x121: {  	v36 =	vld.idx.msk [tilespmem:v0+s19+$0x3200 ss:$0x1], $0xffff;
	[tilespmem:v0+s19+$0x70 ss:$0x1] =	vst.idx.msk $0xffff, v32;
	v32 =	vadd.f32 v37, v11  }
0x122: {  	v31 =	vadd.f32 v38, v3;
	v37 =	vld.idx.msk [tilespmem:v0+s19+$0x3240 ss:$0x1], $0xffff;
	[tilespmem:v0+s17+$0x9640 ss:$0x1] =	vst.idx.msk $0xffff, v33  }
0x123: {  	s21 =	sadd.s32 $0x200, s21;
	v33 =	vadd.f32 v39, v12;
	v12 =	vmov v19;
	v19 =	vmov v30;
	[tilespmem:v0+s17+$0x6410 ss:$0x1] =	vst.idx.msk $0xffff, v32;
	v32 =	vld.idx.msk [tilespmem:v0+s17+$0x9650 ss:$0x1], $0xffff  }
0x124: {  	_ =	sdelay $0x2  }
0x125: {  	v30 =	vadd.f32 v37, v26;
	_ =	sdelay $0x1  }
0x126: {  	[tilespmem:v0+s19+$0x3240 ss:$0x1] =	vst.idx.msk $0xffff, v30  }
0x127: {  	v30 =	vld.idx.msk [tilespmem:v0+s19+$0x3250 ss:$0x1], $0xffff;
	_ =	sdelay $0x2  }
0x128: {  	v35 =	vadd.f32 v35, v22  }
0x129: {  	v41 =	vadd.f32 v36, v28  }
0x12a: {  	[tilespmem:v0+s19+$0x30 ss:$0x1] =	vst.idx.msk $0xffff, v35;
	v30 =	vadd.f32 v30, v24  }
0x12b: {  	[tilespmem:v0+s19+$0x3200 ss:$0x1] =	vst.idx.msk $0xffff, v41  }
0x12c: {  	[tilespmem:v0+s19+$0x3250 ss:$0x1] =	vst.idx.msk $0xffff, v30;
	v30 =	vld.idx.msk [tilespmem:v0+s19+$0x3210 ss:$0x1], $0xffff  }
0x12d: {  	v42 =	vld.idx.msk [tilespmem:v0+s19+$0x3260 ss:$0x1], $0xffff;
	_ =	sdelay $0x3  }
0x12e: {  	v30 =	vadd.f32 v30, v25  }
0x12f: {  	v43 =	vadd.f32 v42, v23  }
0x130: {  	[tilespmem:v0+s19+$0x3210 ss:$0x1] =	vst.idx.msk $0xffff, v30  }
0x131: {  	[tilespmem:v0+s19+$0x3260 ss:$0x1] =	vst.idx.msk $0xffff, v43;
	v30 =	vld.idx.msk [tilespmem:v0+s19+$0x3220 ss:$0x1], $0xffff  }
0x132: {  	v35 =	vld.idx.msk [tilespmem:v0+s19+$0x3270 ss:$0x1], $0xffff;
	_ =	sdelay $0x3  }
0x133: {  	v44 =	vld.idx.msk [tilespmem:v0+s18+$0x3230 ss:$0x1], $0xffff;
	v30 =	vadd.f32 v30, v27  }
0x134: {  	v35 =	vadd.f32 v35, v21  }
0x135: {  	[tilespmem:v0+s19+$0x3220 ss:$0x1] =	vst.idx.msk $0xffff, v30  }
0x136: {  	[tilespmem:v0+s19+$0x3270 ss:$0x1] =	vst.idx.msk $0xffff, v35;
	v30 =	vld.idx.msk [tilespmem:v0+s19+$0x3230 ss:$0x1], $0xffff  }
0x137: {  	v35 =	vld.idx.msk [tilespmem:v0+s19+$0x6440 ss:$0x1], $0xffff  }
0x138: {  	v36 =	vadd.f32 v44, v14;
	_ =	sdelay $0x1  }
0x139: {  	v34 =	vadd.f32 v34, v20;
	[tilespmem:v0+s18+$0x3230 ss:$0x1] =	vst.idx.msk $0xffff, v36  }
0x13a: {  	v36 =	vld.idx.msk [tilespmem:v0+s18+$0x6400 ss:$0x1], $0xffff;
	v30 =	vadd.f32 v30, v22  }
0x13b: {  	[tilespmem:v0+s18+$0x6440 ss:$0x1] =	vst.idx.msk $0xffff, v34;
	v35 =	vadd.f32 v35, v26  }
0x13c: {  	v34 =	vld.idx.msk [tilespmem:v0+s18+$0x6450 ss:$0x1], $0xffff;
	[tilespmem:v0+s19+$0x3230 ss:$0x1] =	vst.idx.msk $0xffff, v30  }
0x13d: {  	[tilespmem:v0+s19+$0x6440 ss:$0x1] =	vst.idx.msk $0xffff, v35;
	v30 =	vld.idx.msk [tilespmem:v0+s19+$0x6400 ss:$0x1], $0xffff  }
0x13e: {  	v35 =	vld.idx.msk [tilespmem:v0+s19+$0x6450 ss:$0x1], $0xffff  }
0x13f: {  	v36 =	vadd.f32 v36, v19;
	_ =	sdelay $0x1  }
0x140: {  	v34 =	vadd.f32 v34, v17;
	[tilespmem:v0+s18+$0x6400 ss:$0x1] =	vst.idx.msk $0xffff, v36  }
0x141: {  	v36 =	vld.idx.msk [tilespmem:v0+s18+$0x6410 ss:$0x1], $0xffff;
	v30 =	vadd.f32 v30, v28  }
0x142: {  	[tilespmem:v0+s18+$0x6450 ss:$0x1] =	vst.idx.msk $0xffff, v34;
	v35 =	vadd.f32 v35, v24  }
0x143: {  	v34 =	vld.idx.msk [tilespmem:v0+s18+$0x6460 ss:$0x1], $0xffff;
	[tilespmem:v0+s19+$0x6400 ss:$0x1] =	vst.idx.msk $0xffff, v30  }
0x144: {  	[tilespmem:v0+s19+$0x6450 ss:$0x1] =	vst.idx.msk $0xffff, v35;
	v30 =	vld.idx.msk [tilespmem:v0+s19+$0x6410 ss:$0x1], $0xffff  }
0x145: {  	v35 =	vld.idx.msk [tilespmem:v0+s19+$0x6460 ss:$0x1], $0xffff  }
0x146: {  	v36 =	vadd.f32 v36, v18  }
0x147: {  	v45 =	vld.idx.msk [tilespmem:v0+s17+$0x6420 ss:$0x1], $0xffff  }
0x148: {  	v34 =	vadd.f32 v34, v15;
	[tilespmem:v0+s18+$0x6410 ss:$0x1] =	vst.idx.msk $0xffff, v36  }
0x149: {  	v36 =	vld.idx.msk [tilespmem:v0+s18+$0x6420 ss:$0x1], $0xffff;
	v30 =	vadd.f32 v30, v25  }
0x14a: {  	[tilespmem:v0+s18+$0x6460 ss:$0x1] =	vst.idx.msk $0xffff, v34;
	v35 =	vadd.f32 v35, v23  }
0x14b: {  	v34 =	vld.idx.msk [tilespmem:v0+s18+$0x6470 ss:$0x1], $0xffff;
	[tilespmem:v0+s19+$0x6410 ss:$0x1] =	vst.idx.msk $0xffff, v30  }
0x14c: {  	v46 =	vadd.f32 v45, v8;
	[tilespmem:v0+s19+$0x6460 ss:$0x1] =	vst.idx.msk $0xffff, v35;
	v47 =	vld.idx.msk [tilespmem:v0+s19+$0x6420 ss:$0x1], $0xffff  }
0x14d: {  	v35 =	vld.idx.msk [tilespmem:v0+s19+$0x6470 ss:$0x1], $0xffff  }
0x14e: {  	[tilespmem:v0+s17+$0x6420 ss:$0x1] =	vst.idx.msk $0xffff, v46;
	v36 =	vadd.f32 v36, v16  }
0x14f: {  	v49 =	vld.idx.msk [tilespmem:v0+s17+$0x6430 ss:$0x1], $0xffff  }
0x150: {  	v50 =	vld.idx.msk [tilespmem:v0+s17+$0x9600 ss:$0x1], $0xffff;
	v34 =	vadd.f32 v34, v13;
	[tilespmem:v0+s18+$0x6420 ss:$0x1] =	vst.idx.msk $0xffff, v36  }
0x151: {  	[tilespmem:v0+s16+$0x6430 ss:$0x1] =	vst.idx.msk $0xffff, v31;
	v52 =	vld.idx.msk [tilespmem:v0+s18+$0x6430 ss:$0x1], $0xffff;
	v37 =	vadd.f32 v47, v27  }
0x152: {  	[tilespmem:v0+s18+$0x6470 ss:$0x1] =	vst.idx.msk $0xffff, v34;
	v54 =	vld.idx.msk [tilespmem:v0+s18+$0x9600 ss:$0x1], $0xffff;
	v48 =	vadd.f32 v35, v21  }
0x153: {  	v34 =	vld.idx.msk [tilespmem:v0+s18+$0x9640 ss:$0x1], $0xffff;
	[tilespmem:v0+s19+$0x6420 ss:$0x1] =	vst.idx.msk $0xffff, v37  }
0x154: {  	v55 =	vadd.f32 v49, v7;
	[tilespmem:v0+s19+$0x6470 ss:$0x1] =	vst.idx.msk $0xffff, v48;
	v56 =	vld.idx.msk [tilespmem:v0+s19+$0x6430 ss:$0x1], $0xffff  }
0x155: {  	[tilespmem:v0+s16+$0x9600 ss:$0x1] =	vst.idx.msk $0xffff, v33;
	v12 =	vadd.f32 v50, v12;
	v51 =	vld.idx.msk [tilespmem:v0+s19+$0x9640 ss:$0x1], $0xffff  }
0x156: {  	[tilespmem:v0+s17+$0x6430 ss:$0x1] =	vst.idx.msk $0xffff, v55;
	v59 =	vadd.f32 v52, v14;
	v57 =	vld.idx.msk [tilespmem:v0+s19+$0x9600 ss:$0x1], $0xffff  }
0x157: {  	[tilespmem:v0+s17+$0x9600 ss:$0x1] =	vst.idx.msk $0xffff, v12;
	v61 =	vadd.f32 v54, v19  }
0x158: {  	v62 =	vld.idx.msk [tilespmem:v0+s16+$0x9610 ss:$0x1], $0xffff;
	v53 =	vadd.f32 v34, v20;
	[tilespmem:v0+s18+$0x6430 ss:$0x1] =	vst.idx.msk $0xffff, v59  }
0x159: {  	[tilespmem:v0+s18+$0x9600 ss:$0x1] =	vst.idx.msk $0xffff, v61;
	v63 =	vadd.f32 v56, v22  }
0x15a: {  	[tilespmem:v0+s18+$0x9640 ss:$0x1] =	vst.idx.msk $0xffff, v53;
	v36 =	vld.idx.msk [tilespmem:v0+s18+$0x9610 ss:$0x1], $0xffff;
	v58 =	vadd.f32 v51, v26  }
0x15b: {  	v60 =	vld.idx.msk [tilespmem:v0+s18+$0x9650 ss:$0x1], $0xffff;
	v34 =	vadd.f32 v57, v28;
	[tilespmem:v0+s19+$0x6430 ss:$0x1] =	vst.idx.msk $0xffff, v63  }
0x15c: {  	v35 =	vld.idx.msk [tilespmem:v0+s17+$0x9610 ss:$0x1], $0xffff;
	[tilespmem:v0+s19+$0x9640 ss:$0x1] =	vst.idx.msk $0xffff, v58  }
0x15d: {  	v5 =	vadd.f32 v62, v5;
	[tilespmem:v0+s19+$0x9600 ss:$0x1] =	vst.idx.msk $0xffff, v34;
	v33 =	vld.idx.msk [tilespmem:v0+s19+$0x9650 ss:$0x1], $0xffff  }
0x15e: {  	v10 =	vadd.f32 v32, v10;
	v38 =	vld.idx.msk [tilespmem:v0+s19+$0x9610 ss:$0x1], $0xffff  }
0x15f: {  	[tilespmem:v0+s16+$0x9610 ss:$0x1] =	vst.idx.msk $0xffff, v5;
	v43 =	vadd.f32 v36, v18  }
0x160: {  	[tilespmem:v0+s17+$0x9650 ss:$0x1] =	vst.idx.msk $0xffff, v10;
	v42 =	vld.idx.msk [tilespmem:v0+s16+$0x9620 ss:$0x1], $0xffff;
	v37 =	vadd.f32 v60, v17  }
0x161: {  	v39 =	vld.idx.msk [tilespmem:v0+s17+$0x9660 ss:$0x1], $0xffff;
	[tilespmem:v0+s18+$0x9610 ss:$0x1] =	vst.idx.msk $0xffff, v43;
	v11 =	vadd.f32 v35, v11  }
0x162: {  	v10 =	vld.idx.msk [tilespmem:v0+s18+$0x9620 ss:$0x1], $0xffff;
	[tilespmem:v0+s18+$0x9650 ss:$0x1] =	vst.idx.msk $0xffff, v37;
	v40 =	vadd.f32 v33, v24  }
0x163: {  	v41 =	vld.idx.msk [tilespmem:v0+s18+$0x9660 ss:$0x1], $0xffff;
	[tilespmem:v0+s17+$0x9610 ss:$0x1] =	vst.idx.msk $0xffff, v11;
	v45 =	vadd.f32 v38, v25  }
0x164: {  	v2 =	vadd.f32 v29, v2;
	v46 =	vld.idx.msk [tilespmem:v0+s17+$0x9620 ss:$0x1], $0xffff;
	[tilespmem:v0+s19+$0x9650 ss:$0x1] =	vst.idx.msk $0xffff, v40  }
0x165: {  	v4 =	vadd.f32 v42, v4;
	[tilespmem:v0+s19+$0x9610 ss:$0x1] =	vst.idx.msk $0xffff, v45;
	v44 =	vld.idx.msk [tilespmem:v0+s19+$0x9660 ss:$0x1], $0xffff  }
0x166: {  	[tilespmem:v0+s15+$0x9620 ss:$0x1] =	vst.idx.msk $0xffff, v2;
	v9 =	vadd.f32 v39, v9;
	v47 =	vld.idx.msk [tilespmem:v0+s19+$0x9620 ss:$0x1], $0xffff  }
0x167: {  	v49 =	vld.idx.msk [tilespmem:v0+s15+$0x9630 ss:$0x1], $0xffff;
	[tilespmem:v0+s16+$0x9620 ss:$0x1] =	vst.idx.msk $0xffff, v4;
	v54 =	vadd.f32 v10, v16  }
0x168: {  	[tilespmem:v0+s17+$0x9660 ss:$0x1] =	vst.idx.msk $0xffff, v9;
	v53 =	vld.idx.msk [tilespmem:v0+s16+$0x9630 ss:$0x1], $0xffff;
	v5 =	vadd.f32 v41, v15  }
0x169: {  	[tilespmem:v0+s18+$0x9620 ss:$0x1] =	vst.idx.msk $0xffff, v54;
	v48 =	vld.idx.msk [tilespmem:v0+s17+$0x9670 ss:$0x1], $0xffff;
	v52 =	vadd.f32 v46, v8  }
0x16a: {  	[tilespmem:v0+s18+$0x9660 ss:$0x1] =	vst.idx.msk $0xffff, v5;
	v5 =	vld.idx.msk [tilespmem:v0+s18+$0x9630 ss:$0x1], $0xffff;
	v50 =	vadd.f32 v44, v23  }
0x16b: {  	v51 =	vld.idx.msk [tilespmem:v0+s18+$0x9670 ss:$0x1], $0xffff;
	[tilespmem:v0+s17+$0x9620 ss:$0x1] =	vst.idx.msk $0xffff, v52;
	v9 =	vadd.f32 v47, v27  }
0x16c: {  	v1 =	vadd.f32 v49, v1;
	v56 =	vld.idx.msk [tilespmem:v0+s17+$0x9630 ss:$0x1], $0xffff;
	[tilespmem:v0+s19+$0x9660 ss:$0x1] =	vst.idx.msk $0xffff, v50  }
0x16d: {  	v59 =	vadd.f32 v53, v3;
	[tilespmem:v0+s19+$0x9620 ss:$0x1] =	vst.idx.msk $0xffff, v9;
	v55 =	vld.idx.msk [tilespmem:v0+s19+$0x9670 ss:$0x1], $0xffff  }
0x16e: {  	[tilespmem:v0+s15+$0x9630 ss:$0x1] =	vst.idx.msk $0xffff, v1;
	v2 =	vadd.f32 v48, v6;
	v58 =	vld.idx.msk [tilespmem:v0+s19+$0x9630 ss:$0x1], $0xffff  }
0x16f: {  	[tilespmem:v0+s16+$0x9630 ss:$0x1] =	vst.idx.msk $0xffff, v59;
	v62 =	vadd.f32 v5, v14  }
0x170: {  	[tilespmem:v0+s17+$0x9670 ss:$0x1] =	vst.idx.msk $0xffff, v2;
	v57 =	vadd.f32 v51, v13  }
0x171: {  	s2 =	smul.u32 $0x320, s2;
	[tilespmem:v0+s18+$0x9630 ss:$0x1] =	vst.idx.msk $0xffff, v62;
	v61 =	vadd.f32 v56, v7  }
0x172: {  	p0 =	sne.s32 s11, $0x20;
	[tilespmem:v0+s18+$0x9670 ss:$0x1] =	vst.idx.msk $0xffff, v57;
	v60 =	vadd.f32 v55, v21  }
.Ltmp1:
0x173: {  	s2 =	sadd.s32 s8, s2;
	[tilespmem:v0+s17+$0x9630 ss:$0x1] =	vst.idx.msk $0xffff, v61;
	v63 =	vadd.f32 v58, v22;
	(pc) =	sbr.rel @p0 .LBB2_2-.Ltmp1, $4  }
0x174: {  	s2 =	sshll.u32 s2, $0x3;
	[tilespmem:v0+s19+$0x9670 ss:$0x1] =	vst.idx.msk $0xffff, v60  }
0x175: {  	s2 =	sadd.s32 s1, s2;
	[tilespmem:v0+s19+$0x9630 ss:$0x1] =	vst.idx.msk $0xffff, v63  }
0x176: {  	[hbm4b:s2+s3] =	stream.linear.scatter [tilespmem:s14], [sflag:$0x3], $0xC800, $0x38;
	[tilespmem:$0x1C880] =	vst v63  }
0x177: {  	s2 =	smov.u32 s11  }
0x178: {  	s0 =	sadd.s32 $0x1, s0  }
0x179: {  	_ =	swait.ge [sflag:s31], $0xC800;
	p0 =	sne.s32 s0, s10  }
.Ltmp2:
0x17a: {  	[sflag:s31] =	ssyncset.done $0x0;
	(pc) =	sbr.rel @p0 .LBB2_1-.Ltmp2, $4  }
0x17b: {  	[sflag:s31] =	ssyncadd.s32 $0xFFFF3800  }
0x17c: {  	_ =	swait.ge [sflag:s31], $0xC800  }
0x17d: {  	[sflag:s31] =	ssyncset.done $0x0  }
0x17e: {  	[sflag:s31] =	ssyncadd.s32 $0xFFFF3800  }
0x17f: {  	_ =	sfence.sel $0x180000  }
0x180: {  	[bflag:$0x0] =	sbarrier.arrive $0xFFFF  }
0x181: {  	_ =	strace $0x90000047  }
0x182: {  	s0 =	stileid.u32;
	[bflag:$0x2] =	sbarrier.arrive $0xFFFF  }
0x183: {  	p0 =	sne.s32 s0, $0x0;
	s0 =	rddreg [dreg:$0x2]  }
0x184: {  	s0 =	sadd.s32 @!p0 $0x100000, s0  }
0x185: {  	[sflag:s0] =	ssyncadd.tile.s32 @!p0 $0x1;
	_ =	shalt  }
.Lfunc_end2:
_tile_overlayer_lowered:
.L_overlay_start_2:
0x186: {  	(tag) =	ssettag $0x2  }
0x187: {  	s0 =	rddreg [dreg:$0x0];
	s2 =	stileid.u32  }
0x188: {  	s1 =	rddreg [dreg:$0x1];
	p0 =	sne.s32 s2, $0x0  }
0x189: {  	s3 =	rddreg [dreg:$0x2];
	[bflag:$0x3] =	sbarrier.arrive $0xFFFF;
	s2 =	simm.s32 @!p0 $0x1C04  }
0x18a: {  	[timem:s3], [sflag:s2] =	dma.local @!p0 [hbm:s0], s1  }
0x18b: {  	s0 =	simm.s32 @!p0 $0x4  }
0x18c: {  	_ =	swait.ge @!p0 [sflag:s0], s1  }
0x18d: {  	s1 =	ssub.s32 @!p0 $0x0, s1;
	[sflag:s0] =	ssyncset.done @!p0 $0x0  }
0x18e: {  	[sflag:s0] =	ssyncadd.s32 @!p0 s1  }
0x18f: {  	[bflag:$0x3] =	sbarrier.arrive $0xFFFF  }
0x190: {  	_ =	shalt  }

// kernel: sparse-core-data-format-call.cloned.1.call-start
scs
called_computation_lowered:
.L_overlay_start_0:
0x0: {  	s2 =	sld [smem:$0x3FD9]  }
0x1: {  	s3 =	sld [smem:$0x3FFE];
	_ =	sdelay $0x1  }
0x2: {  	s1 =	srdreg.scid  }
0x3: {  	s0 =	sand.u32 $0x1, s1  }
0x4: {  	s18 =	sshll.u32 s0, $0xA;
	s2 =	sadd.s32 s3, s2  }
0x5: {  	s2 =	sadd.s32 s2, s18  }
0x6: {  	[smem:$0x3FC5] =	sst s2  }
0x7: {  	_ = 	snop  }
0x8: {  	s2 =	sld [smem:$0x3FD0];
	(tm) =	ssettm $0x1  }
0x9: {  	s19 =	sld [smem:$0x3FFB];
	_ =	sdelay $0x3  }
0xa: {  	_ =	strace s19  }
0xb: {  	s3 =	sld [smem:$0x3FFC];
	_ =	sdelay $0x3  }
0xc: {  	_ =	strace s3  }
0xd: {  	s3 =	sld [smem:$0x3FFD];
	_ =	sdelay $0x3  }
0xe: {  	_ =	strace s3  }
0xf: {  	_ =	strace $0x8FFFFFFF  }
0x10: {  	s20 =	sld [smem:$0x3FDB];
	_ =	sdelay $0x1  }
0x11: {  	s4 =	simm.s32 $_scs_section_size  }
0x12: {  	s5 =	simm.s32 $_size__tile_overlayer_lowered;
	s6 =	simm.s32 $_tile_overlayer_lowered  }
0x13: {  	s23 =	simm.s32 $0x1BFF;
	s22 =	sshll.u32 s6, $0x1;
	s3 =	sadd.s32 s4, s20  }
0x14: {  	s7 =	simm.s32 $0x0;
	s21 =	sshll.u32 s5, $0x1;
	s5 =	sadd.s32 s22, s3  }
0x15: {  	[timem:s7], [sflag:s23] =	dma.local [hbm:s5], s21  }
0x16: {  	_ =	swait.ge [sflag:s23], s21  }
0x17: {  	s4 =	ssub.s32 $0x0, s21;
	[sflag:s23] =	ssyncset.done $0x0  }
0x18: {  	[sflag:s23] =	ssyncadd.s32 s4;
	_ =	sdelay $0x1  }
0x19: {  	s24 =	simm.s32 $0x1B8B  }
0x1a: {  	_ =	swait.ge [sflag:s24], $0x1  }
0x1b: {  	[sflag:s24] =	ssyncset.done $0x0  }
0x1c: {  	s26 =	simm.s32 $0x1B8E;
	s25 =	sld [smem:$0x3FFE];
	[sflag:s24] =	ssyncadd.s32 $0xFFFFFFFF  }
0x1d: {  	s27 =	simm.s32 $execute0_lowered;
	[smem:$0x3FD2] =	sst s26  }
0x1e: {  	s5 =	sshll.u32 s27, $0x1;
	_ =	strace $0x80000049;
	[dreg:$0x1] =	wrdreg $0xFFFFFFFF  }
0x1f: {  	s28 =	simm.s32 $_size_execute0_lowered;
	s3 =	sadd.s32 s3, s5;
	[dreg:$0x0] =	wrdreg $0x0  }
0x20: {  	s5 =	sshll.u32 s28, $0x1;
	[dreg:$0x2] =	wrdreg s3  }
0x21: {  	[dreg:$0x3] =	wrdreg s5  }
0x22: {  	[dreg:$0x4] =	wrdreg $0xC0  }
0x23: {  	_ =	task [dreg:s7], $0x5FFFF  }
0x24: {  	[dreg:$0x1] =	wrdreg $0xFFFFFFFF  }
0x25: {  	[dreg:$0x0] =	wrdreg $0x60  }
0x26: {  	[dreg:$0x2] =	wrdreg s25  }
0x27: {  	[dreg:$0x3] =	wrdreg s2  }
0x28: {  	[dreg:$0x4] =	wrdreg $0x9  }
0x29: {  	_ =	task.clear_ibuf [dreg:s7], $0x5FFFF;
	_ =	strace $0x90000049  }
0x2a: {  	s29 =	simm.s32 $0x9;
	_ =	strace $0x8000004B  }
0x2b: {  	_ =	swait.ge [sflag:s29], $0x1  }
0x2c: {  	[sflag:s29] =	ssyncadd.s32 $0xFFFFFFFF  }
0x2d: {  	_ =	strace $0x9000004B  }
0x2e: {  	_ =	sfence  }
0x2f: {  	s30 =	sld [smem:$0x0];
	_ =	sdelay $0x2  }
0x30: {  	s31 =	sshll.u32 s1, $0xD;
	s1 =	sshrl.u32 s1, $0x2  }
0x31: {  	s3 =	sand.u32 $0x4000, s31;
	s1 =	sadd.s32 s1, s30  }
0x32: {  	s0 =	sor.u32 s3, s0;
	s1 =	sshll.u32 s1, $0x11  }
0x33: {  	s0 =	sor.u32 s1, s0  }
0x34: {  	s0 =	sadd.s32 $0x8F2B, s0  }
0x35: {  	[sflag:s0] =	ssyncadd.remote.s32 $0x1  }
0x36: {  	_ =	sfence.sel $0xFFFF  }
0x37: {  	[dreg:$0x0] =	wrdreg $0xFFFFFFFF;
	(pc) =	sbr.abs _section_cstart, $3  }
0x38: {  	[dreg:$0x1] =	wrdreg $0xFFFFFFFF  }
0x39: {  	_ =	task.clear_ibuf [dreg:s7], $0x2FFFF;
	_ =	strace $0x9FFFFFFF  }
0x3a: {  	(tm) =	ssettm $0x7FFFFFFF  }
0x3b: {  	_ =	shalt  }
tec
execute0_lowered:
.L_overlay_start_1:
0x0: {  	(tag) =	ssettag $0x1  }
0x1: {  	s0 =	srdreg.scid  }
0x2: {  	s1 =	sshll.u32 s0, $0x4  }
0x3: {  	s0 =	stileid.u32;
	s1 =	sand.u32 $0x10, s1  }
0x4: {  	s1 =	sor.u32 s0, s1  }
0x5: {  	s6 =	rddreg [dreg:$0x0];
	s4 =	simm.s32 $0x1;
	s2 =	sshll.u32 s1, $0x7  }
0x6: {  	s7 =	simm.s32 $0x2;
	s12 =	simm.s32 $0x0;
	s1 =	ssub.s32 $0x1000, s2  }
0x7: {  	s8 =	simm.s32 $0x8000;
	s13 =	simm.s32 $0x0;
	s3 =	sand.u32 $0xF80, s1  }
0x8: {  	s9 =	simm.s32 $0x0;
	s5 =	sshrl.u32 s1, $0xC;
	p0 =	sne.s32 s3, $0x0  }
.Ltmp0:
0x9: {  	s1 =	rddreg [dreg:$0x2];
	s4 =	simm.s32 @!p0 $0x0;
	(pc) =	sbr.rel .LBB1_1-.Ltmp0, $4  }
0xa: {  	s11 =	simm.s32 $0x0;
	s3 =	rddreg [dreg:$0x1];
	s5 =	sadd.s32 s4, s5  }
0xb: {  	_ =	strace $0x8000004A;
	s4 =	simm.s32 $0x1;
	s5 =	smul.u32 $0xC8, s5  }
0xc: {  	s6 =	sadd.s32 $0xC00, s6;
	s10 =	smov.u32 s2;
	[sflag:s4] =	ssyncpa.u1 $0x0  }
0xd: {  	p0 =	por $0x0, $0x0;
	[sflag:s7] =	ssyncpa.u1 $0x0;
	s7 =	sor.u32 $0x1, s5  }
.LBB1_4:
0xe: {  	s16 =	sshll.u32 s13, $0x3;
	s17 =	sand.u32 $0x78, s13  }
0xf: {  	s30 =	sand.u32 $0x7E00, s13;
	s12 =	sshll.u32 s12, $0xF;
	s16 =	sand.u32 $0xC00, s16  }
0x10: {  	[tilespmem:s15+$0x810 ss:$0x81] =	vst.msk $0xffff, v2;
	s31 =	sand.u32 $0x7, s13;
	s16 =	sor.u32 s17, s16;
	s17 =	sadd.s32 s3, s30  }
0x11: {  	[tilespmem:s15+$0x1020 ss:$0x81] =	vst.msk $0xffff, v0;
	s13 =	sshll.u32 s31, $0x12;
	s12 =	sadd.s32 s12, s17;
	s16 =	sshrl.u32 s16, $0x3  }
0x12: {  	[tilespmem:s15+$0x0 ss:$0x81] =	vst.msk $0xffff, v1;
	s13 =	sor.u32 $0x400, s13;
	s12 =	sadd.s32 s16, s12  }
0x13: {  	[hbm4b:s12+s13] =	stream.strided.scatter [tilespmem:s14], [sflag:$0x2], $0x2000, s8, s13, $0x20;
	[tilespmem:$0x8080] =	vst v63  }
.LBB1_5:
0x14: {  	s14 =	sadd.s32 $0x1, s9  }
0x15: {  	s12 =	sadd.s32 $0x1000, s10;
	s16 =	smov.u32 s10;
	p2 =	sgt.s32 s14, $0xC7  }
0x16: {  	s16 =	smov.u32 @p2 s12  }
0x17: {  	s14 =	simm.s32 @p2 $0x0;
	p2 =	sgt.s32 s16, $0xFFF  }
0x18: {  	s16 =	smov.u32 @p2 s2;
	p2 =	sne.s32 s11, s7  }
.Ltmp1:
0x19: {  	p1 =	slt.u32 s11, $0x2;
	(pc) =	sbr.rel @!p2 .LBB1_6-.Ltmp1, $4  }
0x1a: {  	s15 =	simm.s32 @!p1 $0x2  }
0x1b: {  	s13 =	smov.u32 s10;
	p0 =	por !p0, !p0;
	_ =	swait.ge @!p1 [sflag:s15], $0x2000  }
0x1c: {  	s12 =	smov.u32 s9;
	[sflag:s15] =	ssyncset.done @!p1 $0x0;
	s9 =	smov.u32 s14  }
0x1d: {  	s11 =	sadd.s32 $0x1, s11;
	[sflag:s15] =	ssyncadd.s32 @!p1 $0xFFFFE000;
	s10 =	smov.u32 s16  }
.LBB1_1:
0x1e: {  	p1 =	sge.u32 s11, s5  }
0x1f: {  	s14 =	sand.u32 @!p1 $0x1FFFFFF, s9  }
0x20: {  	s15 =	smulhi.u32 @!p1 $0x147AE15, s14;
	_ =	sdelay $0x1  }
0x21: {  	s15 =	smul.u32 @!p1 $0xC8, s15  }
0x22: {  	s16 =	sxor.u32 @!p1 $0xFFFFFFFF, s11;
	s17 =	smul.u32 @!p1 $0xC80, s10  }
0x23: {  	s31 =	sadd.s32 $0xFFFFFFFF, s11;
	s16 =	sshll.u32 @!p1 s16, $0xD;
	s14 =	ssub.s32 @!p1 s14, s15  }
0x24: {  	s15 =	sand.u32 @!p1 $0x2000, s16;
	s16 =	sadd.s32 @!p1 s6, s17;
	s14 =	sshll.u32 @!p1 s14, $0x4  }
0x25: {  	s17 =	simm.s32 @!p1 $0x6400;
	s14 =	sadd.s32 @!p1 s14, s16;
	s16 =	simm.s32 @!p1 $0x40  }
0x26: {  	[tilespmem:s15], [sflag:$0x1] =	stream.strided.gather @!p1 [hbm4b:s14+s16], $0x2000, s17, s16, $0x38;
	[tilespmem:$0x8080] =	vst v63  }
0x27: {  	p1 =	sge.u32 s31, s5  }
.Ltmp2:
0x28: {  	_ = 	snop;
	(pc) =	sbr.rel @p1 .LBB1_5-.Ltmp2, $1  }
0x29: {  	_ =	sdelay $0x3  }
0x2a: {  	s14 =	simm.s32 $0x1  }
0x2b: {  	_ =	swait.ge [sflag:s4], $0x2000;
	s14 =	simm.s32 @!p0 $0x0  }
0x2c: {  	[sflag:s4] =	ssyncset.done $0x0;
	s15 =	sshll.u32 s14, $0xD  }
0x2d: {  	[sflag:s4] =	ssyncadd.s32 $0xFFFFE000;
	s18 =	sor.u32 $0x20, s15  }
0x2e: {  	s14 =	smul.u32 $0x8100, s14;
	v3 =	vld [tilespmem:s18+$0x10]  }
0x2f: {  	s30 =	sand.u32 $0x1, s11;
	v2 =	vld [tilespmem:s18+$0xFFFFFFF0]  }
0x30: {  	s15 =	smul.u32 $0x8100, s30;
	s14 =	sshrl.u32 s14, $0x2;
	v0 =	vld [tilespmem:s18+$0x0]  }
0x31: {  	v1 =	vld [tilespmem:s18+$0xFFFFFFE0];
	s16 =	sor.u32 $0x4000, s14  }
0x32: {  	s31 =	sshrl.u32 s15, $0x2;
	s15 =	sadd.s32 $0x0, s16  }
0x33: {  	s17 =	simm.s32 $0x4;
	s18 =	sadd.s32 $0x40, s18;
	s14 =	sor.u32 $0x4000, s31;
	[tilespmem:s15+$0x1830 ss:$0x81] =	vst.msk $0xffff, v3  }
.LBB1_3:
0x34: {  	v3 =	vld [tilespmem:s18+$0x10];
	p1 =	sne.s32 s17, $0x1FC;
	[tilespmem:s15+$0x810 ss:$0x81] =	vst.msk $0xffff, v2;
	s19 =	smov.u32 s17;
	s17 =	sadd.s32 $0x4, s17  }
.Ltmp3:
0x35: {  	v2 =	vld [tilespmem:s18+$0xFFFFFFF0];
	[tilespmem:s15+$0x1020 ss:$0x81] =	vst.msk $0xffff, v0;
	(pc) =	sbr.rel @p1 .LBB1_3-.Ltmp3, $4  }
0x36: {  	v0 =	vld [tilespmem:s18+$0x0];
	[tilespmem:s15+$0x0 ss:$0x81] =	vst.msk $0xffff, v1  }
0x37: {  	s15 =	sshra.s32 s19, $0x2;
	v1 =	vld [tilespmem:s18+$0xFFFFFFE0]  }
0x38: {  	s15 =	sadd.s32 s15, s16  }
0x39: {  	s18 =	sadd.s32 $0x40, s18;
	[tilespmem:s15+$0x1830 ss:$0x81] =	vst.msk $0xffff, v3  }
.Ltmp4:
0x3a: {  	_ = 	snop;
	(pc) =	sbr.rel .LBB1_4-.Ltmp4, $1  }
0x3b: {  	_ =	sdelay $0x3  }
.LBB1_6:
0x3c: {  	_ =	sfence.sel $0x180000  }
0x3d: {  	s2 =	simm.s32 $0x1;
	[bflag:$0x0] =	sbarrier.arrive $0xFFFF  }
0x3e: {  	s31 =	simm.s32 $0x2;
	[sflag:s2] =	ssyncpa.u1 $0x1  }
0x3f: {  	[sflag:s31] =	ssyncpa.u1 $0x1  }
0x40: {  	p0 =	sne.s32 s0, $0x0;
	_ =	strace $0x9000004A  }
0x41: {  	s0 =	sadd.s32 @!p0 $0x100000, s1;
	[bflag:$0x2] =	sbarrier.arrive $0xFFFF  }
0x42: {  	[sflag:s0] =	ssyncadd.tile.s32 @!p0 $0x1;
	_ =	shalt  }
.Lfunc_end1:
_tile_overlayer_lowered:
.L_overlay_start_2:
0x43: {  	(tag) =	ssettag $0x2  }
0x44: {  	s0 =	rddreg [dreg:$0x0];
	s2 =	stileid.u32  }
0x45: {  	s1 =	rddreg [dreg:$0x1];
	p0 =	sne.s32 s2, $0x0  }
0x46: {  	s3 =	rddreg [dreg:$0x2];
	[bflag:$0x3] =	sbarrier.arrive $0xFFFF;
	s2 =	simm.s32 @!p0 $0x1C01  }
0x47: {  	[timem:s3], [sflag:s2] =	dma.local @!p0 [hbm:s0], s1  }
0x48: {  	s0 =	simm.s32 @!p0 $0x1  }
0x49: {  	_ =	swait.ge @!p0 [sflag:s0], s1  }
0x4a: {  	s1 =	ssub.s32 @!p0 $0x0, s1;
	[sflag:s0] =	ssyncset.done @!p0 $0x0  }
0x4b: {  	[sflag:s0] =	ssyncadd.s32 @!p0 s1  }
0x4c: {  	[bflag:$0x3] =	sbarrier.arrive $0xFFFF  }
0x4d: {  	_ =	shalt  }

</sc_bundles>
